<compile_context>
chip_gen: v7x
topology: tpu7x:2x2x1
jax: 0.10.2.dev20260603
libtpu: 0.0.44.dev20260713+nightly
codegen_flags: <defaults>
</compile_context>

<pallas_src>
import jax
import jax.numpy as jnp
from jax import lax
from jax.experimental import pallas as pl
from jax.experimental.pallas import tpu as pltpu
from jax.experimental.pallas import tpu_sc as plsc

N = 1_000_000
D = 64
NC = 2
NS = 16
L = 16
RS = 4000
NCH = N // (NC * RS)
PT = RS // NS
PTW = PT * D
TBUF = 256 * D
GROUPS = 16
HALF = N // 2 * D


def _sc_kernel_body(in_hbm, out_hbm,
                    us0, us1, is0, is1,
                    ut0, ut1, it0, it1,
                    ov0, ov1,
                    hu0, hu1, hi0, hi1,
                    tu0, tu1, ti0, ti1):
    c = lax.axis_index("c")
    s = lax.axis_index("s")
    iot = lax.iota(jnp.int32, L)
    row_base = iot * D

    in_base = c * HALF

    def issue_h2s(n, u_s, i_s, sem_u, sem_i):
        base = in_base + n * (RS * D) + s * PTW
        pltpu.async_copy(in_hbm.at[pl.ds(base, PTW)], u_s.at[s], sem_u)
        pltpu.async_copy(in_hbm.at[pl.ds(N * D + base, PTW)], i_s.at[s], sem_i)

    def wait_h2s(u_s, i_s, sem_u, sem_i):
        pltpu.make_async_copy(in_hbm.at[pl.ds(0, PTW)], u_s.at[s], sem_u).wait()
        pltpu.make_async_copy(in_hbm.at[pl.ds(0, PTW)], i_s.at[s], sem_i).wait()

    def issue_s2t(u_s, i_s, u_t, i_t, sem_u, sem_i):
        pltpu.async_copy(u_s.at[s], u_t.at[pl.ds(0, PTW)], sem_u)
        pltpu.async_copy(i_s.at[s], i_t.at[pl.ds(0, PTW)], sem_i)

    def wait_s2t(u_s, i_s, u_t, i_t, sem_u, sem_i):
        pltpu.make_async_copy(u_s.at[s], u_t.at[pl.ds(0, PTW)], sem_u).wait()
        pltpu.make_async_copy(i_s.at[s], i_t.at[pl.ds(0, PTW)], sem_i).wait()

    def compute(n, u_t, i_t, out_v):
        def group_body(g, carry2):
            idx0 = g * (L * D) + row_base
            def jblock(jb, accs):
                a0, a1, a2, a3 = accs
                jbase = jb * (D // 4)
                for jj in range(0, D // 4, 4):
                    i0 = idx0 + ((iot + (jbase + jj)) & (D - 1))
                    i1 = idx0 + ((iot + (jbase + jj + 1)) & (D - 1))
                    i2 = idx0 + ((iot + (jbase + jj + 2)) & (D - 1))
                    i3 = idx0 + ((iot + (jbase + jj + 3)) & (D - 1))
                    a0 = a0 + plsc.load_gather(u_t, [i0]) * plsc.load_gather(i_t, [i0])
                    a1 = a1 + plsc.load_gather(u_t, [i1]) * plsc.load_gather(i_t, [i1])
                    a2 = a2 + plsc.load_gather(u_t, [i2]) * plsc.load_gather(i_t, [i2])
                    a3 = a3 + plsc.load_gather(u_t, [i3]) * plsc.load_gather(i_t, [i3])
                return (a0, a1, a2, a3)

            zero = jnp.zeros((L,), jnp.float32)
            a0, a1, a2, a3 = lax.fori_loop(
                0, 4, jblock, (zero, zero, zero, zero), unroll=False)
            out_v[pl.ds(g * L, L)] = (a0 + a1) + (a2 + a3)
            return carry2

        lax.fori_loop(0, GROUPS, group_body, 0, unroll=False)
        pltpu.sync_copy(out_v, out_hbm.at[c * NCH + n, s, :])

    issue_h2s(0, us0, is0, hu0, hi0)
    issue_h2s(1, us1, is1, hu1, hi1)
    wait_h2s(us0, is0, hu0, hi0)
    issue_s2t(us0, is0, ut0, it0, tu0, ti0)

    def pair_body(i, carry):
        wait_s2t(us0, is0, ut0, it0, tu0, ti0)
        issue_h2s(2 * i + 2, us0, is0, hu0, hi0)
        wait_h2s(us1, is1, hu1, hi1)
        issue_s2t(us1, is1, ut1, it1, tu1, ti1)
        compute(2 * i, ut0, it0, ov0)

        wait_s2t(us1, is1, ut1, it1, tu1, ti1)

        @pl.when(i < NCH // 2 - 1)
        def _():
            issue_h2s(2 * i + 3, us1, is1, hu1, hi1)

        wait_h2s(us0, is0, hu0, hi0)
        issue_s2t(us0, is0, ut0, it0, tu0, ti0)
        compute(2 * i + 1, ut1, it1, ov1)
        return carry

    lax.fori_loop(0, NCH // 2, pair_body, 0, unroll=False)

    wait_s2t(us0, is0, ut0, it0, tu0, ti0)
    compute(NCH - 1, ut0, it0, ov0)


def _make_sc_call():
    mesh = plsc.VectorSubcoreMesh(core_axis_name="c", subcore_axis_name="s")
    return pl.kernel(
        _sc_kernel_body,
        out_type=jax.ShapeDtypeStruct((NC * NCH, NS, 256), jnp.float32),
        mesh=mesh,
        scratch_types=[
            pltpu.VMEM_SHARED((NS, PTW), jnp.float32),
            pltpu.VMEM_SHARED((NS, PTW), jnp.float32),
            pltpu.VMEM_SHARED((NS, PTW), jnp.float32),
            pltpu.VMEM_SHARED((NS, PTW), jnp.float32),
            pltpu.VMEM((TBUF,), jnp.float32),
            pltpu.VMEM((TBUF,), jnp.float32),
            pltpu.VMEM((TBUF,), jnp.float32),
            pltpu.VMEM((TBUF,), jnp.float32),
            pltpu.VMEM((256,), jnp.float32),
            pltpu.VMEM((256,), jnp.float32),
            pltpu.SemaphoreType.DMA,
            pltpu.SemaphoreType.DMA,
            pltpu.SemaphoreType.DMA,
            pltpu.SemaphoreType.DMA,
            pltpu.SemaphoreType.DMA,
            pltpu.SemaphoreType.DMA,
            pltpu.SemaphoreType.DMA,
            pltpu.SemaphoreType.DMA,
        ],
        compiler_params=pltpu.CompilerParams(
            needs_layout_passes=False, use_tc_tiling_on_sc=False),
    )


def kernel(inputs):
    flat = inputs.reshape(-1)
    padded = _make_sc_call()(flat)
    return padded[:, :, :PT].reshape(N)

# --- scband reference (transcript-rebuilt; emitter-appended) ---
"""Pipeline reference for scband-dgcfmodel-68865505624089 (READ-ONLY COPY).

The authoritative reference and input builder live on the scoring server;
editing this copy changes nothing except your own understanding.
"""

import jax, jax.numpy as jnp
import numpy as np


def setup_inputs(seed: int = 0) -> dict:
    key = jax.random.key(seed)
    # forward takes inputs=(gu, gi); we stack them along dim 0 so that
    # `gu, gi = inputs` unpacks along the leading axis exactly like torch.
    inputs = jax.random.normal(key, (2, 1000000, 64), dtype=jnp.float32)
    return {"inputs": inputs}


def reference(inputs):
    # gu, gi = inputs  (unpack along leading axis)
    gu = inputs[0]
    gi = inputs[1]
    gamma_u = jnp.squeeze(gu)
    gamma_i = jnp.squeeze(gi)
    # xui = sum(gamma_u * gamma_i, dim=1)
    xui = jnp.sum(gamma_u * gamma_i, axis=1)
    return xui

if __name__ == "__main__":
    import jax
    _d = setup_inputs()
    print(jax.jit(kernel)(*tuple(_d.values())))

</pallas_src>

<mosaic_0001>
#map = affine_map<(d0, d1) -> (0)>
#map1 = affine_map<(d0, d1) -> (0, 0, 0)>
module attributes {stable_mosaic.version = 14 : i64} {
  func.func @_sc_kernel_body(%arg0: i32, %arg1: i32, %arg2: memref<128000000xf32, #tpu.memory_space<hbm>>, %arg3: memref<250x16x256xf32, #tpu.memory_space<hbm>>, %arg4: memref<16x16000xf32, #tpu.memory_space<vmem_shared>>, %arg5: memref<16x16000xf32, #tpu.memory_space<vmem_shared>>, %arg6: memref<16x16000xf32, #tpu.memory_space<vmem_shared>>, %arg7: memref<16x16000xf32, #tpu.memory_space<vmem_shared>>, %arg8: memref<16384xf32, #tpu.memory_space<vmem>>, %arg9: memref<16384xf32, #tpu.memory_space<vmem>>, %arg10: memref<16384xf32, #tpu.memory_space<vmem>>, %arg11: memref<16384xf32, #tpu.memory_space<vmem>>, %arg12: memref<256xf32, #tpu.memory_space<vmem>>, %arg13: memref<256xf32, #tpu.memory_space<vmem>>, %arg14: memref<!tpu.dma_semaphore, #tpu.memory_space<semaphore_mem>>, %arg15: memref<!tpu.dma_semaphore, #tpu.memory_space<semaphore_mem>>, %arg16: memref<!tpu.dma_semaphore, #tpu.memory_space<semaphore_mem>>, %arg17: memref<!tpu.dma_semaphore, #tpu.memory_space<semaphore_mem>>, %arg18: memref<!tpu.dma_semaphore, #tpu.memory_space<semaphore_mem>>, %arg19: memref<!tpu.dma_semaphore, #tpu.memory_space<semaphore_mem>>, %arg20: memref<!tpu.dma_semaphore, #tpu.memory_space<semaphore_mem>>, %arg21: memref<!tpu.dma_semaphore, #tpu.memory_space<semaphore_mem>>) attributes {dimension_semantics = [#tpu.dimension_semantics<core_parallel>, #tpu.dimension_semantics<subcore_parallel>], iteration_bounds = array<i64: 2, 16>, scalar_prefetch = 0 : i64, scratch_operands = 18 : i64, tpu.core_type = #tpu.core_type<sc_vector_subcore>, window_params = [{transform_indices = #map}, {transform_indices = #map1}]} {
    %iota3A = tpu.iota {dimensions = array<i32: 0>} : vector<16xi32>
    %mul3A = arith.constant 64 : i32
    %mul3A_0 = vector.broadcast %mul3A : i32 to vector<16xi32>
    %mul3A_1 = arith.muli %iota3A, %mul3A_0 : vector<16xi32>
    %mul3A_2 = arith.constant 32000000 : i32
    %mul3A_3 = arith.muli %arg0, %mul3A_2 : i32
    %add3A = arith.constant 0 : i32
    %add3A_4 = arith.addi %mul3A_3, %add3A : i32
    %mul3A_5 = arith.constant 16000 : i32
    %mul3A_6 = arith.muli %arg1, %mul3A_5 : i32
    %add3A_7 = arith.addi %add3A_4, %mul3A_6 : i32
    %dma_start3A = arith.constant 0 : i32
    %dma_start3A_8 = tpu.memref_slice %arg4[%arg1, %dma_start3A] : memref<16x16000xf32, #tpu.memory_space<vmem_shared>> -> memref<1x16000xf32, #tpu.memory_space<vmem_shared>>
    %dma_start3A_9 = tpu.memref_squeeze %dma_start3A_8 : memref<1x16000xf32, #tpu.memory_space<vmem_shared>> -> memref<16000xf32, #tpu.memory_space<vmem_shared>>
    %dma_start3A_10 = tpu.memref_slice %arg2[%add3A_7] : memref<128000000xf32, #tpu.memory_space<hbm>> -> memref<16000xf32, #tpu.memory_space<hbm>>
    tpu.enqueue_dma source(%dma_start3A_10 : memref<16000xf32, #tpu.memory_space<hbm>>) target(%dma_start3A_9 : memref<16000xf32, #tpu.memory_space<vmem_shared>>) target_semaphore(%arg14 : memref<!tpu.dma_semaphore, #tpu.memory_space<semaphore_mem>>)
    %add3A_11 = arith.constant 64000000 : i32
    %add3A_12 = arith.addi %add3A_11, %add3A_7 : i32
    %dma_start3A_13 = arith.constant 0 : i32
    %dma_start3A_14 = tpu.memref_slice %arg6[%arg1, %dma_start3A_13] : memref<16x16000xf32, #tpu.memory_space<vmem_shared>> -> memref<1x16000xf32, #tpu.memory_space<vmem_shared>>
    %dma_start3A_15 = tpu.memref_squeeze %dma_start3A_14 : memref<1x16000xf32, #tpu.memory_space<vmem_shared>> -> memref<16000xf32, #tpu.memory_space<vmem_shared>>
    %dma_start3A_16 = tpu.memref_slice %arg2[%add3A_12] : memref<128000000xf32, #tpu.memory_space<hbm>> -> memref<16000xf32, #tpu.memory_space<hbm>>
    tpu.enqueue_dma source(%dma_start3A_16 : memref<16000xf32, #tpu.memory_space<hbm>>) target(%dma_start3A_15 : memref<16000xf32, #tpu.memory_space<vmem_shared>>) target_semaphore(%arg16 : memref<!tpu.dma_semaphore, #tpu.memory_space<semaphore_mem>>)
    %add3A_17 = arith.constant 256000 : i32
    %add3A_18 = arith.addi %mul3A_3, %add3A_17 : i32
    %mul3A_19 = arith.constant 16000 : i32
    %mul3A_20 = arith.muli %arg1, %mul3A_19 : i32
    %add3A_21 = arith.addi %add3A_18, %mul3A_20 : i32
    %dma_start3A_22 = arith.constant 0 : i32
    %dma_start3A_23 = tpu.memref_slice %arg5[%arg1, %dma_start3A_22] : memref<16x16000xf32, #tpu.memory_space<vmem_shared>> -> memref<1x16000xf32, #tpu.memory_space<vmem_shared>>
    %dma_start3A_24 = tpu.memref_squeeze %dma_start3A_23 : memref<1x16000xf32, #tpu.memory_space<vmem_shared>> -> memref<16000xf32, #tpu.memory_space<vmem_shared>>
    %dma_start3A_25 = tpu.memref_slice %arg2[%add3A_21] : memref<128000000xf32, #tpu.memory_space<hbm>> -> memref<16000xf32, #tpu.memory_space<hbm>>
    tpu.enqueue_dma source(%dma_start3A_25 : memref<16000xf32, #tpu.memory_space<hbm>>) target(%dma_start3A_24 : memref<16000xf32, #tpu.memory_space<vmem_shared>>) target_semaphore(%arg15 : memref<!tpu.dma_semaphore, #tpu.memory_space<semaphore_mem>>)
    %add3A_26 = arith.constant 64000000 : i32
    %add3A_27 = arith.addi %add3A_26, %add3A_21 : i32
    %dma_start3A_28 = arith.constant 0 : i32
    %dma_start3A_29 = tpu.memref_slice %arg7[%arg1, %dma_start3A_28] : memref<16x16000xf32, #tpu.memory_space<vmem_shared>> -> memref<1x16000xf32, #tpu.memory_space<vmem_shared>>
    %dma_start3A_30 = tpu.memref_squeeze %dma_start3A_29 : memref<1x16000xf32, #tpu.memory_space<vmem_shared>> -> memref<16000xf32, #tpu.memory_space<vmem_shared>>
    %dma_start3A_31 = tpu.memref_slice %arg2[%add3A_27] : memref<128000000xf32, #tpu.memory_space<hbm>> -> memref<16000xf32, #tpu.memory_space<hbm>>
    tpu.enqueue_dma source(%dma_start3A_31 : memref<16000xf32, #tpu.memory_space<hbm>>) target(%dma_start3A_30 : memref<16000xf32, #tpu.memory_space<vmem_shared>>) target_semaphore(%arg17 : memref<!tpu.dma_semaphore, #tpu.memory_space<semaphore_mem>>)
    %dma_wait3A = arith.constant 0 : i32
    %dma_wait3A_32 = tpu.memref_slice %arg4[%arg1, %dma_wait3A] : memref<16x16000xf32, #tpu.memory_space<vmem_shared>> -> memref<1x16000xf32, #tpu.memory_space<vmem_shared>>
    %dma_wait3A_33 = tpu.memref_squeeze %dma_wait3A_32 : memref<1x16000xf32, #tpu.memory_space<vmem_shared>> -> memref<16000xf32, #tpu.memory_space<vmem_shared>>
    %dma_wait3A_34 = arith.constant 0 : i32
    %dma_wait3A_35 = tpu.memref_slice %arg2[%dma_wait3A_34] : memref<128000000xf32, #tpu.memory_space<hbm>> -> memref<16000xf32, #tpu.memory_space<hbm>>
    tpu.wait_dma2 semaphore(%arg14 : memref<!tpu.dma_semaphore, #tpu.memory_space<semaphore_mem>>) src(%dma_wait3A_35 : memref<16000xf32, #tpu.memory_space<hbm>>) dst(%dma_wait3A_33 : memref<16000xf32, #tpu.memory_space<vmem_shared>>)
    %dma_wait3A_36 = arith.constant 0 : i32
    %dma_wait3A_37 = tpu.memref_slice %arg6[%arg1, %dma_wait3A_36] : memref<16x16000xf32, #tpu.memory_space<vmem_shared>> -> memref<1x16000xf32, #tpu.memory_space<vmem_shared>>
    %dma_wait3A_38 = tpu.memref_squeeze %dma_wait3A_37 : memref<1x16000xf32, #tpu.memory_space<vmem_shared>> -> memref<16000xf32, #tpu.memory_space<vmem_shared>>
    %dma_wait3A_39 = arith.constant 0 : i32
    %dma_wait3A_40 = tpu.memref_slice %arg2[%dma_wait3A_39] : memref<128000000xf32, #tpu.memory_space<hbm>> -> memref<16000xf32, #tpu.memory_space<hbm>>
    tpu.wait_dma2 semaphore(%arg16 : memref<!tpu.dma_semaphore, #tpu.memory_space<semaphore_mem>>) src(%dma_wait3A_40 : memref<16000xf32, #tpu.memory_space<hbm>>) dst(%dma_wait3A_38 : memref<16000xf32, #tpu.memory_space<vmem_shared>>)
    %dma_start3A_41 = arith.constant 0 : i32
    %dma_start3A_42 = tpu.memref_slice %arg8[%dma_start3A_41] : memref<16384xf32, #tpu.memory_space<vmem>> -> memref<16000xf32, #tpu.memory_space<vmem>>
    %dma_start3A_43 = arith.constant 0 : i32
    %dma_start3A_44 = tpu.memref_slice %arg4[%arg1, %dma_start3A_43] : memref<16x16000xf32, #tpu.memory_space<vmem_shared>> -> memref<1x16000xf32, #tpu.memory_space<vmem_shared>>
    %dma_start3A_45 = tpu.memref_squeeze %dma_start3A_44 : memref<1x16000xf32, #tpu.memory_space<vmem_shared>> -> memref<16000xf32, #tpu.memory_space<vmem_shared>>
    %dma_start3A_46 = arith.constant 0 : i32
    %dma_start3A_47 = tpu.memref_slice %arg8[%dma_start3A_46] : memref<16384xf32, #tpu.memory_space<vmem>> -> memref<16000xf32, #tpu.memory_space<vmem>>
    %dma_start3A_48 = arith.constant 0 : i32
    %dma_start3A_49 = tpu.memref_slice %arg4[%arg1, %dma_start3A_48] : memref<16x16000xf32, #tpu.memory_space<vmem_shared>> -> memref<1x16000xf32, #tpu.memory_space<vmem_shared>>
    %dma_start3A_50 = tpu.memref_squeeze %dma_start3A_49 : memref<1x16000xf32, #tpu.memory_space<vmem_shared>> -> memref<16000xf32, #tpu.memory_space<vmem_shared>>
    tpu.enqueue_dma source(%dma_start3A_50 : memref<16000xf32, #tpu.memory_space<vmem_shared>>) target(%dma_start3A_47 : memref<16000xf32, #tpu.memory_space<vmem>>) target_semaphore(%arg18 : memref<!tpu.dma_semaphore, #tpu.memory_space<semaphore_mem>>)
    %dma_start3A_51 = arith.constant 0 : i32
    %dma_start3A_52 = tpu.memref_slice %arg10[%dma_start3A_51] : memref<16384xf32, #tpu.memory_space<vmem>> -> memref<16000xf32, #tpu.memory_space<vmem>>
    %dma_start3A_53 = arith.constant 0 : i32
    %dma_start3A_54 = tpu.memref_slice %arg6[%arg1, %dma_start3A_53] : memref<16x16000xf32, #tpu.memory_space<vmem_shared>> -> memref<1x16000xf32, #tpu.memory_space<vmem_shared>>
    %dma_start3A_55 = tpu.memref_squeeze %dma_start3A_54 : memref<1x16000xf32, #tpu.memory_space<vmem_shared>> -> memref<16000xf32, #tpu.memory_space<vmem_shared>>
    %dma_start3A_56 = arith.constant 0 : i32
    %dma_start3A_57 = tpu.memref_slice %arg10[%dma_start3A_56] : memref<16384xf32, #tpu.memory_space<vmem>> -> memref<16000xf32, #tpu.memory_space<vmem>>
    %dma_start3A_58 = arith.constant 0 : i32
    %dma_start3A_59 = tpu.memref_slice %arg6[%arg1, %dma_start3A_58] : memref<16x16000xf32, #tpu.memory_space<vmem_shared>> -> memref<1x16000xf32, #tpu.memory_space<vmem_shared>>
    %dma_start3A_60 = tpu.memref_squeeze %dma_start3A_59 : memref<1x16000xf32, #tpu.memory_space<vmem_shared>> -> memref<16000xf32, #tpu.memory_space<vmem_shared>>
    tpu.enqueue_dma source(%dma_start3A_60 : memref<16000xf32, #tpu.memory_space<vmem_shared>>) target(%dma_start3A_57 : memref<16000xf32, #tpu.memory_space<vmem>>) target_semaphore(%arg20 : memref<!tpu.dma_semaphore, #tpu.memory_space<semaphore_mem>>)
    %scan3A = arith.constant 0 : i32
    %scan3A_61 = arith.constant 0 : i32
    %scan3A_62 = arith.constant 62 : i32
    %scan3A_63 = arith.addi %scan3A_61, %scan3A_62 : i32
    %scan3A_64 = arith.constant 1 : i32
    scf.for %scan3A_96 = %scan3A_61 to %scan3A_63 step %scan3A_64  : i32 {
      %dma_wait3A_97 = arith.constant 0 : i32
      %dma_wait3A_98 = tpu.memref_slice %arg8[%dma_wait3A_97] : memref<16384xf32, #tpu.memory_space<vmem>> -> memref<16000xf32, #tpu.memory_space<vmem>>
      %dma_wait3A_99 = arith.constant 0 : i32
      %dma_wait3A_100 = tpu.memref_slice %arg4[%arg1, %dma_wait3A_99] : memref<16x16000xf32, #tpu.memory_space<vmem_shared>> -> memref<1x16000xf32, #tpu.memory_space<vmem_shared>>
      %dma_wait3A_101 = tpu.memref_squeeze %dma_wait3A_100 : memref<1x16000xf32, #tpu.memory_space<vmem_shared>> -> memref<16000xf32, #tpu.memory_space<vmem_shared>>
      %dma_wait3A_102 = arith.constant 0 : i32
      %dma_wait3A_103 = tpu.memref_slice %arg8[%dma_wait3A_102] : memref<16384xf32, #tpu.memory_space<vmem>> -> memref<16000xf32, #tpu.memory_space<vmem>>
      %dma_wait3A_104 = arith.constant 0 : i32
      %dma_wait3A_105 = tpu.memref_slice %arg4[%arg1, %dma_wait3A_104] : memref<16x16000xf32, #tpu.memory_space<vmem_shared>> -> memref<1x16000xf32, #tpu.memory_space<vmem_shared>>
      %dma_wait3A_106 = tpu.memref_squeeze %dma_wait3A_105 : memref<1x16000xf32, #tpu.memory_space<vmem_shared>> -> memref<16000xf32, #tpu.memory_space<vmem_shared>>
      tpu.wait_dma2 semaphore(%arg18 : memref<!tpu.dma_semaphore, #tpu.memory_space<semaphore_mem>>) src(%dma_wait3A_106 : memref<16000xf32, #tpu.memory_space<vmem_shared>>) dst(%dma_wait3A_103 : memref<16000xf32, #tpu.memory_space<vmem>>)
      %dma_wait3A_107 = arith.constant 0 : i32
      %dma_wait3A_108 = tpu.memref_slice %arg10[%dma_wait3A_107] : memref<16384xf32, #tpu.memory_space<vmem>> -> memref<16000xf32, #tpu.memory_space<vmem>>
      %dma_wait3A_109 = arith.constant 0 : i32
      %dma_wait3A_110 = tpu.memref_slice %arg6[%arg1, %dma_wait3A_109] : memref<16x16000xf32, #tpu.memory_space<vmem_shared>> -> memref<1x16000xf32, #tpu.memory_space<vmem_shared>>
      %dma_wait3A_111 = tpu.memref_squeeze %dma_wait3A_110 : memref<1x16000xf32, #tpu.memory_space<vmem_shared>> -> memref<16000xf32, #tpu.memory_space<vmem_shared>>
      %dma_wait3A_112 = arith.constant 0 : i32
      %dma_wait3A_113 = tpu.memref_slice %arg10[%dma_wait3A_112] : memref<16384xf32, #tpu.memory_space<vmem>> -> memref<16000xf32, #tpu.memory_space<vmem>>
      %dma_wait3A_114 = arith.constant 0 : i32
      %dma_wait3A_115 = tpu.memref_slice %arg6[%arg1, %dma_wait3A_114] : memref<16x16000xf32, #tpu.memory_space<vmem_shared>> -> memref<1x16000xf32, #tpu.memory_space<vmem_shared>>
      %dma_wait3A_116 = tpu.memref_squeeze %dma_wait3A_115 : memref<1x16000xf32, #tpu.memory_space<vmem_shared>> -> memref<16000xf32, #tpu.memory_space<vmem_shared>>
      tpu.wait_dma2 semaphore(%arg20 : memref<!tpu.dma_semaphore, #tpu.memory_space<semaphore_mem>>) src(%dma_wait3A_116 : memref<16000xf32, #tpu.memory_space<vmem_shared>>) dst(%dma_wait3A_113 : memref<16000xf32, #tpu.memory_space<vmem>>)
      %mul3A_117 = arith.constant 2 : i32
      %mul3A_118 = arith.muli %mul3A_117, %scan3A_96 : i32
      %add3A_119 = arith.constant 2 : i32
      %add3A_120 = arith.addi %mul3A_118, %add3A_119 : i32
      %mul3A_121 = arith.constant 256000 : i32
      %mul3A_122 = arith.muli %add3A_120, %mul3A_121 : i32
      %add3A_123 = arith.addi %mul3A_3, %mul3A_122 : i32
      %mul3A_124 = arith.constant 16000 : i32
      %mul3A_125 = arith.muli %arg1, %mul3A_124 : i32
      %add3A_126 = arith.addi %add3A_123, %mul3A_125 : i32
      %dma_start3A_127 = arith.constant 0 : i32
      %dma_start3A_128 = tpu.memref_slice %arg4[%arg1, %dma_start3A_127] : memref<16x16000xf32, #tpu.memory_space<vmem_shared>> -> memref<1x16000xf32, #tpu.memory_space<vmem_shared>>
      %dma_start3A_129 = tpu.memref_squeeze %dma_start3A_128 : memref<1x16000xf32, #tpu.memory_space<vmem_shared>> -> memref<16000xf32, #tpu.memory_space<vmem_shared>>
      %dma_start3A_130 = tpu.memref_slice %arg2[%add3A_126] : memref<128000000xf32, #tpu.memory_space<hbm>> -> memref<16000xf32, #tpu.memory_space<hbm>>
      tpu.enqueue_dma source(%dma_start3A_130 : memref<16000xf32, #tpu.memory_space<hbm>>) target(%dma_start3A_129 : memref<16000xf32, #tpu.memory_space<vmem_shared>>) target_semaphore(%arg14 : memref<!tpu.dma_semaphore, #tpu.memory_space<semaphore_mem>>)
      %add3A_131 = arith.constant 64000000 : i32
      %add3A_132 = arith.addi %add3A_131, %add3A_126 : i32
      %dma_start3A_133 = arith.constant 0 : i32
      %dma_start3A_134 = tpu.memref_slice %arg6[%arg1, %dma_start3A_133] : memref<16x16000xf32, #tpu.memory_space<vmem_shared>> -> memref<1x16000xf32, #tpu.memory_space<vmem_shared>>
      %dma_start3A_135 = tpu.memref_squeeze %dma_start3A_134 : memref<1x16000xf32, #tpu.memory_space<vmem_shared>> -> memref<16000xf32, #tpu.memory_space<vmem_shared>>
      %dma_start3A_136 = tpu.memref_slice %arg2[%add3A_132] : memref<128000000xf32, #tpu.memory_space<hbm>> -> memref<16000xf32, #tpu.memory_space<hbm>>
      tpu.enqueue_dma source(%dma_start3A_136 : memref<16000xf32, #tpu.memory_space<hbm>>) target(%dma_start3A_135 : memref<16000xf32, #tpu.memory_space<vmem_shared>>) target_semaphore(%arg16 : memref<!tpu.dma_semaphore, #tpu.memory_space<semaphore_mem>>)
      %dma_wait3A_137 = arith.constant 0 : i32
      %dma_wait3A_138 = tpu.memref_slice %arg5[%arg1, %dma_wait3A_137] : memref<16x16000xf32, #tpu.memory_space<vmem_shared>> -> memref<1x16000xf32, #tpu.memory_space<vmem_shared>>
      %dma_wait3A_139 = tpu.memref_squeeze %dma_wait3A_138 : memref<1x16000xf32, #tpu.memory_space<vmem_shared>> -> memref<16000xf32, #tpu.memory_space<vmem_shared>>
      %dma_wait3A_140 = arith.constant 0 : i32
      %dma_wait3A_141 = tpu.memref_slice %arg2[%dma_wait3A_140] : memref<128000000xf32, #tpu.memory_space<hbm>> -> memref<16000xf32, #tpu.memory_space<hbm>>
      tpu.wait_dma2 semaphore(%arg15 : memref<!tpu.dma_semaphore, #tpu.memory_space<semaphore_mem>>) src(%dma_wait3A_141 : memref<16000xf32, #tpu.memory_space<hbm>>) dst(%dma_wait3A_139 : memref<16000xf32, #tpu.memory_space<vmem_shared>>)
      %dma_wait3A_142 = arith.constant 0 : i32
      %dma_wait3A_143 = tpu.memref_slice %arg7[%arg1, %dma_wait3A_142] : memref<16x16000xf32, #tpu.memory_space<vmem_shared>> -> memref<1x16000xf32, #tpu.memory_space<vmem_shared>>
      %dma_wait3A_144 = tpu.memref_squeeze %dma_wait3A_143 : memref<1x16000xf32, #tpu.memory_space<vmem_shared>> -> memref<16000xf32, #tpu.memory_space<vmem_shared>>
      %dma_wait3A_145 = arith.constant 0 : i32
      %dma_wait3A_146 = tpu.memref_slice %arg2[%dma_wait3A_145] : memref<128000000xf32, #tpu.memory_space<hbm>> -> memref<16000xf32, #tpu.memory_space<hbm>>
      tpu.wait_dma2 semaphore(%arg17 : memref<!tpu.dma_semaphore, #tpu.memory_space<semaphore_mem>>) src(%dma_wait3A_146 : memref<16000xf32, #tpu.memory_space<hbm>>) dst(%dma_wait3A_144 : memref<16000xf32, #tpu.memory_space<vmem_shared>>)
      %dma_start3A_147 = arith.constant 0 : i32
      %dma_start3A_148 = tpu.memref_slice %arg9[%dma_start3A_147] : memref<16384xf32, #tpu.memory_space<vmem>> -> memref<16000xf32, #tpu.memory_space<vmem>>
      %dma_start3A_149 = arith.constant 0 : i32
      %dma_start3A_150 = tpu.memref_slice %arg5[%arg1, %dma_start3A_149] : memref<16x16000xf32, #tpu.memory_space<vmem_shared>> -> memref<1x16000xf32, #tpu.memory_space<vmem_shared>>
      %dma_start3A_151 = tpu.memref_squeeze %dma_start3A_150 : memref<1x16000xf32, #tpu.memory_space<vmem_shared>> -> memref<16000xf32, #tpu.memory_space<vmem_shared>>
      %dma_start3A_152 = arith.constant 0 : i32
      %dma_start3A_153 = tpu.memref_slice %arg9[%dma_start3A_152] : memref<16384xf32, #tpu.memory_space<vmem>> -> memref<16000xf32, #tpu.memory_space<vmem>>
      %dma_start3A_154 = arith.constant 0 : i32
      %dma_start3A_155 = tpu.memref_slice %arg5[%arg1, %dma_start3A_154] : memref<16x16000xf32, #tpu.memory_space<vmem_shared>> -> memref<1x16000xf32, #tpu.memory_space<vmem_shared>>
      %dma_start3A_156 = tpu.memref_squeeze %dma_start3A_155 : memref<1x16000xf32, #tpu.memory_space<vmem_shared>> -> memref<16000xf32, #tpu.memory_space<vmem_shared>>
      tpu.enqueue_dma source(%dma_start3A_156 : memref<16000xf32, #tpu.memory_space<vmem_shared>>) target(%dma_start3A_153 : memref<16000xf32, #tpu.memory_space<vmem>>) target_semaphore(%arg19 : memref<!tpu.dma_semaphore, #tpu.memory_space<semaphore_mem>>)
      %dma_start3A_157 = arith.constant 0 : i32
      %dma_start3A_158 = tpu.memref_slice %arg11[%dma_start3A_157] : memref<16384xf32, #tpu.memory_space<vmem>> -> memref<16000xf32, #tpu.memory_space<vmem>>
      %dma_start3A_159 = arith.constant 0 : i32
      %dma_start3A_160 = tpu.memref_slice %arg7[%arg1, %dma_start3A_159] : memref<16x16000xf32, #tpu.memory_space<vmem_shared>> -> memref<1x16000xf32, #tpu.memory_space<vmem_shared>>
      %dma_start3A_161 = tpu.memref_squeeze %dma_start3A_160 : memref<1x16000xf32, #tpu.memory_space<vmem_shared>> -> memref<16000xf32, #tpu.memory_space<vmem_shared>>
      %dma_start3A_162 = arith.constant 0 : i32
      %dma_start3A_163 = tpu.memref_slice %arg11[%dma_start3A_162] : memref<16384xf32, #tpu.memory_space<vmem>> -> memref<16000xf32, #tpu.memory_space<vmem>>
      %dma_start3A_164 = arith.constant 0 : i32
      %dma_start3A_165 = tpu.memref_slice %arg7[%arg1, %dma_start3A_164] : memref<16x16000xf32, #tpu.memory_space<vmem_shared>> -> memref<1x16000xf32, #tpu.memory_space<vmem_shared>>
      %dma_start3A_166 = tpu.memref_squeeze %dma_start3A_165 : memref<1x16000xf32, #tpu.memory_space<vmem_shared>> -> memref<16000xf32, #tpu.memory_space<vmem_shared>>
      tpu.enqueue_dma source(%dma_start3A_166 : memref<16000xf32, #tpu.memory_space<vmem_shared>>) target(%dma_start3A_163 : memref<16000xf32, #tpu.memory_space<vmem>>) target_semaphore(%arg21 : memref<!tpu.dma_semaphore, #tpu.memory_space<semaphore_mem>>)
      %mul3A_167 = arith.constant 2 : i32
      %mul3A_168 = arith.muli %mul3A_167, %scan3A_96 : i32
      %scan3A_169 = arith.constant 0 : i32
      %scan3A_170 = arith.constant 0 : i32
      %scan3A_171 = arith.constant 16 : i32
      %scan3A_172 = arith.addi %scan3A_170, %scan3A_171 : i32
      %scan3A_173 = arith.constant 1 : i32
      scf.for %scan3A_243 = %scan3A_170 to %scan3A_172 step %scan3A_173  : i32 {
        %mul3A_244 = arith.constant 1024 : i32
        %mul3A_245 = arith.muli %scan3A_243, %mul3A_244 : i32
        %add3A_246 = vector.broadcast %mul3A_245 : i32 to vector<16xi32>
        %add3A_247 = arith.addi %add3A_246, %mul3A_1 : vector<16xi32>
        %broadcast_in_dim3A = arith.constant 0.000000e+00 : f32
        %broadcast_in_dim3A_248 = vector.broadcast %broadcast_in_dim3A : f32 to vector<16xf32>
        %scan3A_249 = arith.constant 0 : i32
        %scan3A_250 = arith.constant 4 : i32
        %scan3A_251 = arith.addi %scan3A_249, %scan3A_250 : i32
        %scan3A_252 = arith.constant 1 : i32
        %scan3A_253:4 = scf.for %scan3A_261 = %scan3A_249 to %scan3A_251 step %scan3A_252 iter_args(%scan3A_262 = %broadcast_in_dim3A_248, %scan3A_263 = %broadcast_in_dim3A_248, %scan3A_264 = %broadcast_in_dim3A_248, %scan3A_265 = %broadcast_in_dim3A_248) -> (vector<16xf32>, vector<16xf32>, vector<16xf32>, vector<16xf32>)  : i32 {
          %mul3A_266 = arith.constant 16 : i32
          %mul3A_267 = arith.muli %scan3A_261, %mul3A_266 : i32
          %add3A_268 = arith.constant 0 : i32
          %add3A_269 = arith.addi %mul3A_267, %add3A_268 : i32
          %add3A_270 = vector.broadcast %add3A_269 : i32 to vector<16xi32>
          %add3A_271 = arith.addi %iota3A, %add3A_270 : vector<16xi32>
          %and3A = arith.constant 63 : i32
          %and3A_272 = vector.broadcast %and3A : i32 to vector<16xi32>
          %and3A_273 = arith.andi %add3A_271, %and3A_272 : vector<16xi32>
          %add3A_274 = arith.addi %add3A_247, %and3A_273 : vector<16xi32>
          %add3A_275 = arith.constant 0 : i32
          %add3A_276 = arith.addi %mul3A_267, %add3A_275 : i32
          %add3A_277 = arith.constant 1 : i32
          %add3A_278 = arith.addi %add3A_276, %add3A_277 : i32
          %add3A_279 = vector.broadcast %add3A_278 : i32 to vector<16xi32>
          %add3A_280 = arith.addi %iota3A, %add3A_279 : vector<16xi32>
          %and3A_281 = arith.constant 63 : i32
          %and3A_282 = vector.broadcast %and3A_281 : i32 to vector<16xi32>
          %and3A_283 = arith.andi %add3A_280, %and3A_282 : vector<16xi32>
          %add3A_284 = arith.addi %add3A_247, %and3A_283 : vector<16xi32>
          %add3A_285 = arith.constant 0 : i32
          %add3A_286 = arith.addi %mul3A_267, %add3A_285 : i32
          %add3A_287 = arith.constant 2 : i32
          %add3A_288 = arith.addi %add3A_286, %add3A_287 : i32
          %add3A_289 = vector.broadcast %add3A_288 : i32 to vector<16xi32>
          %add3A_290 = arith.addi %iota3A, %add3A_289 : vector<16xi32>
          %and3A_291 = arith.constant 63 : i32
          %and3A_292 = vector.broadcast %and3A_291 : i32 to vector<16xi32>
          %and3A_293 = arith.andi %add3A_290, %and3A_292 : vector<16xi32>
          %add3A_294 = arith.addi %add3A_247, %and3A_293 : vector<16xi32>
          %add3A_295 = arith.constant 0 : i32
          %add3A_296 = arith.addi %mul3A_267, %add3A_295 : i32
          %add3A_297 = arith.constant 3 : i32
          %add3A_298 = arith.addi %add3A_296, %add3A_297 : i32
          %add3A_299 = vector.broadcast %add3A_298 : i32 to vector<16xi32>
          %add3A_300 = arith.addi %iota3A, %add3A_299 : vector<16xi32>
          %and3A_301 = arith.constant 63 : i32
          %and3A_302 = vector.broadcast %and3A_301 : i32 to vector<16xi32>
          %and3A_303 = arith.andi %add3A_300, %and3A_302 : vector<16xi32>
          %add3A_304 = arith.addi %add3A_247, %and3A_303 : vector<16xi32>
          %gather3A = tpu.vector_load_idx %arg8[%add3A_274] : memref<16384xf32, #tpu.memory_space<vmem>>[vector<16xi32>], vector<16xf32>,
          %gather3A_305 = tpu.vector_load_idx %arg10[%add3A_274] : memref<16384xf32, #tpu.memory_space<vmem>>[vector<16xi32>], vector<16xf32>,
          %mul3A_306 = arith.mulf %gather3A, %gather3A_305 : vector<16xf32>
          %add3A_307 = arith.addf %scan3A_262, %mul3A_306 : vector<16xf32>
          %gather3A_308 = tpu.vector_load_idx %arg8[%add3A_284] : memref<16384xf32, #tpu.memory_space<vmem>>[vector<16xi32>], vector<16xf32>,
          %gather3A_309 = tpu.vector_load_idx %arg10[%add3A_284] : memref<16384xf32, #tpu.memory_space<vmem>>[vector<16xi32>], vector<16xf32>,
          %mul3A_310 = arith.mulf %gather3A_308, %gather3A_309 : vector<16xf32>
          %add3A_311 = arith.addf %scan3A_263, %mul3A_310 : vector<16xf32>
          %gather3A_312 = tpu.vector_load_idx %arg8[%add3A_294] : memref<16384xf32, #tpu.memory_space<vmem>>[vector<16xi32>], vector<16xf32>,
          %gather3A_313 = tpu.vector_load_idx %arg10[%add3A_294] : memref<16384xf32, #tpu.memory_space<vmem>>[vector<16xi32>], vector<16xf32>,
          %mul3A_314 = arith.mulf %gather3A_312, %gather3A_313 : vector<16xf32>
          %add3A_315 = arith.addf %scan3A_264, %mul3A_314 : vector<16xf32>
          %gather3A_316 = tpu.vector_load_idx %arg8[%add3A_304] : memref<16384xf32, #tpu.memory_space<vmem>>[vector<16xi32>], vector<16xf32>,
          %gather3A_317 = tpu.vector_load_idx %arg10[%add3A_304] : memref<16384xf32, #tpu.memory_space<vmem>>[vector<16xi32>], vector<16xf32>,
          %mul3A_318 = arith.mulf %gather3A_316, %gather3A_317 : vector<16xf32>
          %add3A_319 = arith.addf %scan3A_265, %mul3A_318 : vector<16xf32>
          %add3A_320 = arith.constant 4 : i32
          %add3A_321 = arith.addi %mul3A_267, %add3A_320 : i32
          %add3A_322 = vector.broadcast %add3A_321 : i32 to vector<16xi32>
          %add3A_323 = arith.addi %iota3A, %add3A_322 : vector<16xi32>
          %and3A_324 = arith.constant 63 : i32
          %and3A_325 = vector.broadcast %and3A_324 : i32 to vector<16xi32>
          %and3A_326 = arith.andi %add3A_323, %and3A_325 : vector<16xi32>
          %add3A_327 = arith.addi %add3A_247, %and3A_326 : vector<16xi32>
          %add3A_328 = arith.constant 4 : i32
          %add3A_329 = arith.addi %mul3A_267, %add3A_328 : i32
          %add3A_330 = arith.constant 1 : i32
          %add3A_331 = arith.addi %add3A_329, %add3A_330 : i32
          %add3A_332 = vector.broadcast %add3A_331 : i32 to vector<16xi32>
          %add3A_333 = arith.addi %iota3A, %add3A_332 : vector<16xi32>
          %and3A_334 = arith.constant 63 : i32
          %and3A_335 = vector.broadcast %and3A_334 : i32 to vector<16xi32>
          %and3A_336 = arith.andi %add3A_333, %and3A_335 : vector<16xi32>
          %add3A_337 = arith.addi %add3A_247, %and3A_336 : vector<16xi32>
          %add3A_338 = arith.constant 4 : i32
          %add3A_339 = arith.addi %mul3A_267, %add3A_338 : i32
          %add3A_340 = arith.constant 2 : i32
          %add3A_341 = arith.addi %add3A_339, %add3A_340 : i32
          %add3A_342 = vector.broadcast %add3A_341 : i32 to vector<16xi32>
          %add3A_343 = arith.addi %iota3A, %add3A_342 : vector<16xi32>
          %and3A_344 = arith.constant 63 : i32
          %and3A_345 = vector.broadcast %and3A_344 : i32 to vector<16xi32>
          %and3A_346 = arith.andi %add3A_343, %and3A_345 : vector<16xi32>
          %add3A_347 = arith.addi %add3A_247, %and3A_346 : vector<16xi32>
          %add3A_348 = arith.constant 4 : i32
          %add3A_349 = arith.addi %mul3A_267, %add3A_348 : i32
          %add3A_350 = arith.constant 3 : i32
          %add3A_351 = arith.addi %add3A_349, %add3A_350 : i32
          %add3A_352 = vector.broadcast %add3A_351 : i32 to vector<16xi32>
          %add3A_353 = arith.addi %iota3A, %add3A_352 : vector<16xi32>
          %and3A_354 = arith.constant 63 : i32
          %and3A_355 = vector.broadcast %and3A_354 : i32 to vector<16xi32>
          %and3A_356 = arith.andi %add3A_353, %and3A_355 : vector<16xi32>
          %add3A_357 = arith.addi %add3A_247, %and3A_356 : vector<16xi32>
          %gather3A_358 = tpu.vector_load_idx %arg8[%add3A_327] : memref<16384xf32, #tpu.memory_space<vmem>>[vector<16xi32>], vector<16xf32>,
          %gather3A_359 = tpu.vector_load_idx %arg10[%add3A_327] : memref<16384xf32, #tpu.memory_space<vmem>>[vector<16xi32>], vector<16xf32>,
          %mul3A_360 = arith.mulf %gather3A_358, %gather3A_359 : vector<16xf32>
          %add3A_361 = arith.addf %add3A_307, %mul3A_360 : vector<16xf32>
          %gather3A_362 = tpu.vector_load_idx %arg8[%add3A_337] : memref<16384xf32, #tpu.memory_space<vmem>>[vector<16xi32>], vector<16xf32>,
          %gather3A_363 = tpu.vector_load_idx %arg10[%add3A_337] : memref<16384xf32, #tpu.memory_space<vmem>>[vector<16xi32>], vector<16xf32>,
          %mul3A_364 = arith.mulf %gather3A_362, %gather3A_363 : vector<16xf32>
          %add3A_365 = arith.addf %add3A_311, %mul3A_364 : vector<16xf32>
          %gather3A_366 = tpu.vector_load_idx %arg8[%add3A_347] : memref<16384xf32, #tpu.memory_space<vmem>>[vector<16xi32>], vector<16xf32>,
          %gather3A_367 = tpu.vector_load_idx %arg10[%add3A_347] : memref<16384xf32, #tpu.memory_space<vmem>>[vector<16xi32>], vector<16xf32>,
          %mul3A_368 = arith.mulf %gather3A_366, %gather3A_367 : vector<16xf32>
          %add3A_369 = arith.addf %add3A_315, %mul3A_368 : vector<16xf32>
          %gather3A_370 = tpu.vector_load_idx %arg8[%add3A_357] : memref<16384xf32, #tpu.memory_space<vmem>>[vector<16xi32>], vector<16xf32>,
          %gather3A_371 = tpu.vector_load_idx %arg10[%add3A_357] : memref<16384xf32, #tpu.memory_space<vmem>>[vector<16xi32>], vector<16xf32>,
          %mul3A_372 = arith.mulf %gather3A_370, %gather3A_371 : vector<16xf32>
          %add3A_373 = arith.addf %add3A_319, %mul3A_372 : vector<16xf32>
          %add3A_374 = arith.constant 8 : i32
          %add3A_375 = arith.addi %mul3A_267, %add3A_374 : i32
          %add3A_376 = vector.broadcast %add3A_375 : i32 to vector<16xi32>
          %add3A_377 = arith.addi %iota3A, %add3A_376 : vector<16xi32>
          %and3A_378 = arith.constant 63 : i32
          %and3A_379 = vector.broadcast %and3A_378 : i32 to vector<16xi32>
          %and3A_380 = arith.andi %add3A_377, %and3A_379 : vector<16xi32>
          %add3A_381 = arith.addi %add3A_247, %and3A_380 : vector<16xi32>
          %add3A_382 = arith.constant 8 : i32
          %add3A_383 = arith.addi %mul3A_267, %add3A_382 : i32
          %add3A_384 = arith.constant 1 : i32
          %add3A_385 = arith.addi %add3A_383, %add3A_384 : i32
          %add3A_386 = vector.broadcast %add3A_385 : i32 to vector<16xi32>
          %add3A_387 = arith.addi %iota3A, %add3A_386 : vector<16xi32>
          %and3A_388 = arith.constant 63 : i32
          %and3A_389 = vector.broadcast %and3A_388 : i32 to vector<16xi32>
          %and3A_390 = arith.andi %add3A_387, %and3A_389 : vector<16xi32>
          %add3A_391 = arith.addi %add3A_247, %and3A_390 : vector<16xi32>
          %add3A_392 = arith.constant 8 : i32
          %add3A_393 = arith.addi %mul3A_267, %add3A_392 : i32
          %add3A_394 = arith.constant 2 : i32
          %add3A_395 = arith.addi %add3A_393, %add3A_394 : i32
          %add3A_396 = vector.broadcast %add3A_395 : i32 to vector<16xi32>
          %add3A_397 = arith.addi %iota3A, %add3A_396 : vector<16xi32>
          %and3A_398 = arith.constant 63 : i32
          %and3A_399 = vector.broadcast %and3A_398 : i32 to vector<16xi32>
          %and3A_400 = arith.andi %add3A_397, %and3A_399 : vector<16xi32>
          %add3A_401 = arith.addi %add3A_247, %and3A_400 : vector<16xi32>
          %add3A_402 = arith.constant 8 : i32
          %add3A_403 = arith.addi %mul3A_267, %add3A_402 : i32
          %add3A_404 = arith.constant 3 : i32
          %add3A_405 = arith.addi %add3A_403, %add3A_404 : i32
          %add3A_406 = vector.broadcast %add3A_405 : i32 to vector<16xi32>
          %add3A_407 = arith.addi %iota3A, %add3A_406 : vector<16xi32>
          %and3A_408 = arith.constant 63 : i32
          %and3A_409 = vector.broadcast %and3A_408 : i32 to vector<16xi32>
          %and3A_410 = arith.andi %add3A_407, %and3A_409 : vector<16xi32>
          %add3A_411 = arith.addi %add3A_247, %and3A_410 : vector<16xi32>
          %gather3A_412 = tpu.vector_load_idx %arg8[%add3A_381] : memref<16384xf32, #tpu.memory_space<vmem>>[vector<16xi32>], vector<16xf32>,
          %gather3A_413 = tpu.vector_load_idx %arg10[%add3A_381] : memref<16384xf32, #tpu.memory_space<vmem>>[vector<16xi32>], vector<16xf32>,
          %mul3A_414 = arith.mulf %gather3A_412, %gather3A_413 : vector<16xf32>
          %add3A_415 = arith.addf %add3A_361, %mul3A_414 : vector<16xf32>
          %gather3A_416 = tpu.vector_load_idx %arg8[%add3A_391] : memref<16384xf32, #tpu.memory_space<vmem>>[vector<16xi32>], vector<16xf32>,
          %gather3A_417 = tpu.vector_load_idx %arg10[%add3A_391] : memref<16384xf32, #tpu.memory_space<vmem>>[vector<16xi32>], vector<16xf32>,
          %mul3A_418 = arith.mulf %gather3A_416, %gather3A_417 : vector<16xf32>
          %add3A_419 = arith.addf %add3A_365, %mul3A_418 : vector<16xf32>
          %gather3A_420 = tpu.vector_load_idx %arg8[%add3A_401] : memref<16384xf32, #tpu.memory_space<vmem>>[vector<16xi32>], vector<16xf32>,
          %gather3A_421 = tpu.vector_load_idx %arg10[%add3A_401] : memref<16384xf32, #tpu.memory_space<vmem>>[vector<16xi32>], vector<16xf32>,
          %mul3A_422 = arith.mulf %gather3A_420, %gather3A_421 : vector<16xf32>
          %add3A_423 = arith.addf %add3A_369, %mul3A_422 : vector<16xf32>
          %gather3A_424 = tpu.vector_load_idx %arg8[%add3A_411] : memref<16384xf32, #tpu.memory_space<vmem>>[vector<16xi32>], vector<16xf32>,
          %gather3A_425 = tpu.vector_load_idx %arg10[%add3A_411] : memref<16384xf32, #tpu.memory_space<vmem>>[vector<16xi32>], vector<16xf32>,
          %mul3A_426 = arith.mulf %gather3A_424, %gather3A_425 : vector<16xf32>
          %add3A_427 = arith.addf %add3A_373, %mul3A_426 : vector<16xf32>
          %add3A_428 = arith.constant 12 : i32
          %add3A_429 = arith.addi %mul3A_267, %add3A_428 : i32
          %add3A_430 = vector.broadcast %add3A_429 : i32 to vector<16xi32>
          %add3A_431 = arith.addi %iota3A, %add3A_430 : vector<16xi32>
          %and3A_432 = arith.constant 63 : i32
          %and3A_433 = vector.broadcast %and3A_432 : i32 to vector<16xi32>
          %and3A_434 = arith.andi %add3A_431, %and3A_433 : vector<16xi32>
          %add3A_435 = arith.addi %add3A_247, %and3A_434 : vector<16xi32>
          %add3A_436 = arith.constant 12 : i32
          %add3A_437 = arith.addi %mul3A_267, %add3A_436 : i32
          %add3A_438 = arith.constant 1 : i32
          %add3A_439 = arith.addi %add3A_437, %add3A_438 : i32
          %add3A_440 = vector.broadcast %add3A_439 : i32 to vector<16xi32>
          %add3A_441 = arith.addi %iota3A, %add3A_440 : vector<16xi32>
          %and3A_442 = arith.constant 63 : i32
          %and3A_443 = vector.broadcast %and3A_442 : i32 to vector<16xi32>
          %and3A_444 = arith.andi %add3A_441, %and3A_443 : vector<16xi32>
          %add3A_445 = arith.addi %add3A_247, %and3A_444 : vector<16xi32>
          %add3A_446 = arith.constant 12 : i32
          %add3A_447 = arith.addi %mul3A_267, %add3A_446 : i32
          %add3A_448 = arith.constant 2 : i32
          %add3A_449 = arith.addi %add3A_447, %add3A_448 : i32
          %add3A_450 = vector.broadcast %add3A_449 : i32 to vector<16xi32>
          %add3A_451 = arith.addi %iota3A, %add3A_450 : vector<16xi32>
          %and3A_452 = arith.constant 63 : i32
          %and3A_453 = vector.broadcast %and3A_452 : i32 to vector<16xi32>
          %and3A_454 = arith.andi %add3A_451, %and3A_453 : vector<16xi32>
          %add3A_455 = arith.addi %add3A_247, %and3A_454 : vector<16xi32>
          %add3A_456 = arith.constant 12 : i32
          %add3A_457 = arith.addi %mul3A_267, %add3A_456 : i32
          %add3A_458 = arith.constant 3 : i32
          %add3A_459 = arith.addi %add3A_457, %add3A_458 : i32
          %add3A_460 = vector.broadcast %add3A_459 : i32 to vector<16xi32>
          %add3A_461 = arith.addi %iota3A, %add3A_460 : vector<16xi32>
          %and3A_462 = arith.constant 63 : i32
          %and3A_463 = vector.broadcast %and3A_462 : i32 to vector<16xi32>
          %and3A_464 = arith.andi %add3A_461, %and3A_463 : vector<16xi32>
          %add3A_465 = arith.addi %add3A_247, %and3A_464 : vector<16xi32>
          %gather3A_466 = tpu.vector_load_idx %arg8[%add3A_435] : memref<16384xf32, #tpu.memory_space<vmem>>[vector<16xi32>], vector<16xf32>,
          %gather3A_467 = tpu.vector_load_idx %arg10[%add3A_435] : memref<16384xf32, #tpu.memory_space<vmem>>[vector<16xi32>], vector<16xf32>,
          %mul3A_468 = arith.mulf %gather3A_466, %gather3A_467 : vector<16xf32>
          %add3A_469 = arith.addf %add3A_415, %mul3A_468 : vector<16xf32>
          %gather3A_470 = tpu.vector_load_idx %arg8[%add3A_445] : memref<16384xf32, #tpu.memory_space<vmem>>[vector<16xi32>], vector<16xf32>,
          %gather3A_471 = tpu.vector_load_idx %arg10[%add3A_445] : memref<16384xf32, #tpu.memory_space<vmem>>[vector<16xi32>], vector<16xf32>,
          %mul3A_472 = arith.mulf %gather3A_470, %gather3A_471 : vector<16xf32>
          %add3A_473 = arith.addf %add3A_419, %mul3A_472 : vector<16xf32>
          %gather3A_474 = tpu.vector_load_idx %arg8[%add3A_455] : memref<16384xf32, #tpu.memory_space<vmem>>[vector<16xi32>], vector<16xf32>,
          %gather3A_475 = tpu.vector_load_idx %arg10[%add3A_455] : memref<16384xf32, #tpu.memory_space<vmem>>[vector<16xi32>], vector<16xf32>,
          %mul3A_476 = arith.mulf %gather3A_474, %gather3A_475 : vector<16xf32>
          %add3A_477 = arith.addf %add3A_423, %mul3A_476 : vector<16xf32>
          %gather3A_478 = tpu.vector_load_idx %arg8[%add3A_465] : memref<16384xf32, #tpu.memory_space<vmem>>[vector<16xi32>], vector<16xf32>,
          %gather3A_479 = tpu.vector_load_idx %arg10[%add3A_465] : memref<16384xf32, #tpu.memory_space<vmem>>[vector<16xi32>], vector<16xf32>,
          %mul3A_480 = arith.mulf %gather3A_478, %gather3A_479 : vector<16xf32>
          %add3A_481 = arith.addf %add3A_427, %mul3A_480 : vector<16xf32>
          scf.yield %add3A_469, %add3A_473, %add3A_477, %add3A_481 : vector<16xf32>, vector<16xf32>, vector<16xf32>, vector<16xf32>
        }
        %scan3A_254 = arith.constant 4 : i32
        %add3A_255 = arith.addf %scan3A_253#0, %scan3A_253#1 : vector<16xf32>
        %add3A_256 = arith.addf %scan3A_253#2, %scan3A_253#3 : vector<16xf32>
        %add3A_257 = arith.addf %add3A_255, %add3A_256 : vector<16xf32>
        %mul3A_258 = arith.constant 16 : i32
        %mul3A_259 = arith.muli %scan3A_243, %mul3A_258 : i32
        %swap3A = arith.index_cast %mul3A_259 : i32 to index
        %swap3A_260 = tpu.vector_load %arg12[%swap3A] {strides = array<i32>} : memref<256xf32, #tpu.memory_space<vmem>>, vector<16xf32>,
        tpu.vector_store %arg12[%swap3A], %add3A_257 {strides = array<i32>} : memref<256xf32, #tpu.memory_space<vmem>>, vector<16xf32>,
      }
      %scan3A_174 = arith.constant 16 : i32
      %mul3A_175 = arith.constant 125 : i32
      %mul3A_176 = arith.muli %arg0, %mul3A_175 : i32
      %add3A_177 = arith.addi %mul3A_176, %mul3A_168 : i32
      "tpu.region"() ({
        %run_scoped3A = tpu.sem_alloc : memref<!tpu.dma_semaphore, #tpu.memory_space<semaphore_mem>>
        %dma_start3A_243 = arith.constant 0 : i32
        %dma_start3A_244 = tpu.memref_slice %arg3[%add3A_177, %arg1, %dma_start3A_243] : memref<250x16x256xf32, #tpu.memory_space<hbm>> -> memref<1x1x256xf32, #tpu.memory_space<hbm>>
        %dma_start3A_245 = tpu.memref_squeeze %dma_start3A_244 : memref<1x1x256xf32, #tpu.memory_space<hbm>> -> memref<256xf32, #tpu.memory_space<hbm>>
        %dma_start3A_246 = arith.constant 0 : i32
        %dma_start3A_247 = tpu.memref_slice %arg3[%add3A_177, %arg1, %dma_start3A_246] : memref<250x16x256xf32, #tpu.memory_space<hbm>> -> memref<1x1x256xf32, #tpu.memory_space<hbm>>
        %dma_start3A_248 = tpu.memref_squeeze %dma_start3A_247 : memref<1x1x256xf32, #tpu.memory_space<hbm>> -> memref<256xf32, #tpu.memory_space<hbm>>
        tpu.enqueue_dma source(%arg12 : memref<256xf32, #tpu.memory_space<vmem>>) target(%dma_start3A_248 : memref<256xf32, #tpu.memory_space<hbm>>) target_semaphore(%run_scoped3A : memref<!tpu.dma_semaphore, #tpu.memory_space<semaphore_mem>>)
        %dma_wait3A_249 = arith.constant 0 : i32
        %dma_wait3A_250 = tpu.memref_slice %arg3[%add3A_177, %arg1, %dma_wait3A_249] : memref<250x16x256xf32, #tpu.memory_space<hbm>> -> memref<1x1x256xf32, #tpu.memory_space<hbm>>
        %dma_wait3A_251 = tpu.memref_squeeze %dma_wait3A_250 : memref<1x1x256xf32, #tpu.memory_space<hbm>> -> memref<256xf32, #tpu.memory_space<hbm>>
        %dma_wait3A_252 = arith.constant 0 : i32
        %dma_wait3A_253 = tpu.memref_slice %arg3[%add3A_177, %arg1, %dma_wait3A_252] : memref<250x16x256xf32, #tpu.memory_space<hbm>> -> memref<1x1x256xf32, #tpu.memory_space<hbm>>
        %dma_wait3A_254 = tpu.memref_squeeze %dma_wait3A_253 : memref<1x1x256xf32, #tpu.memory_space<hbm>> -> memref<256xf32, #tpu.memory_space<hbm>>
        tpu.wait_dma2 semaphore(%run_scoped3A : memref<!tpu.dma_semaphore, #tpu.memory_space<semaphore_mem>>) src(%arg12 : memref<256xf32, #tpu.memory_space<vmem>>) dst(%dma_wait3A_254 : memref<256xf32, #tpu.memory_space<hbm>>)
        tpu.yield
      }) : () -> ()
      %dma_wait3A_178 = arith.constant 0 : i32
      %dma_wait3A_179 = tpu.memref_slice %arg9[%dma_wait3A_178] : memref<16384xf32, #tpu.memory_space<vmem>> -> memref<16000xf32, #tpu.memory_space<vmem>>
      %dma_wait3A_180 = arith.constant 0 : i32
      %dma_wait3A_181 = tpu.memref_slice %arg5[%arg1, %dma_wait3A_180] : memref<16x16000xf32, #tpu.memory_space<vmem_shared>> -> memref<1x16000xf32, #tpu.memory_space<vmem_shared>>
      %dma_wait3A_182 = tpu.memref_squeeze %dma_wait3A_181 : memref<1x16000xf32, #tpu.memory_space<vmem_shared>> -> memref<16000xf32, #tpu.memory_space<vmem_shared>>
      %dma_wait3A_183 = arith.constant 0 : i32
      %dma_wait3A_184 = tpu.memref_slice %arg9[%dma_wait3A_183] : memref<16384xf32, #tpu.memory_space<vmem>> -> memref<16000xf32, #tpu.memory_space<vmem>>
      %dma_wait3A_185 = arith.constant 0 : i32
      %dma_wait3A_186 = tpu.memref_slice %arg5[%arg1, %dma_wait3A_185] : memref<16x16000xf32, #tpu.memory_space<vmem_shared>> -> memref<1x16000xf32, #tpu.memory_space<vmem_shared>>
      %dma_wait3A_187 = tpu.memref_squeeze %dma_wait3A_186 : memref<1x16000xf32, #tpu.memory_space<vmem_shared>> -> memref<16000xf32, #tpu.memory_space<vmem_shared>>
      tpu.wait_dma2 semaphore(%arg19 : memref<!tpu.dma_semaphore, #tpu.memory_space<semaphore_mem>>) src(%dma_wait3A_187 : memref<16000xf32, #tpu.memory_space<vmem_shared>>) dst(%dma_wait3A_184 : memref<16000xf32, #tpu.memory_space<vmem>>)
      %dma_wait3A_188 = arith.constant 0 : i32
      %dma_wait3A_189 = tpu.memref_slice %arg11[%dma_wait3A_188] : memref<16384xf32, #tpu.memory_space<vmem>> -> memref<16000xf32, #tpu.memory_space<vmem>>
      %dma_wait3A_190 = arith.constant 0 : i32
      %dma_wait3A_191 = tpu.memref_slice %arg7[%arg1, %dma_wait3A_190] : memref<16x16000xf32, #tpu.memory_space<vmem_shared>> -> memref<1x16000xf32, #tpu.memory_space<vmem_shared>>
      %dma_wait3A_192 = tpu.memref_squeeze %dma_wait3A_191 : memref<1x16000xf32, #tpu.memory_space<vmem_shared>> -> memref<16000xf32, #tpu.memory_space<vmem_shared>>
      %dma_wait3A_193 = arith.constant 0 : i32
      %dma_wait3A_194 = tpu.memref_slice %arg11[%dma_wait3A_193] : memref<16384xf32, #tpu.memory_space<vmem>> -> memref<16000xf32, #tpu.memory_space<vmem>>
      %dma_wait3A_195 = arith.constant 0 : i32
      %dma_wait3A_196 = tpu.memref_slice %arg7[%arg1, %dma_wait3A_195] : memref<16x16000xf32, #tpu.memory_space<vmem_shared>> -> memref<1x16000xf32, #tpu.memory_space<vmem_shared>>
      %dma_wait3A_197 = tpu.memref_squeeze %dma_wait3A_196 : memref<1x16000xf32, #tpu.memory_space<vmem_shared>> -> memref<16000xf32, #tpu.memory_space<vmem_shared>>
      tpu.wait_dma2 semaphore(%arg21 : memref<!tpu.dma_semaphore, #tpu.memory_space<semaphore_mem>>) src(%dma_wait3A_197 : memref<16000xf32, #tpu.memory_space<vmem_shared>>) dst(%dma_wait3A_194 : memref<16000xf32, #tpu.memory_space<vmem>>)
      %lt3A = arith.constant 61 : i32
      %lt3A_198 = arith.cmpi slt, %scan3A_96, %lt3A : i32
      %convert_element_type3A = arith.extui %lt3A_198 : i1 to i32
      %cond3A = arith.constant 0 : i32
      %cond3A_199 = arith.cmpi ne, %convert_element_type3A, %cond3A : i32
      scf.if %cond3A_199 {
        %mul3A_243 = arith.constant 2 : i32
        %mul3A_244 = arith.muli %mul3A_243, %scan3A_96 : i32
        %add3A_245 = arith.constant 3 : i32
        %add3A_246 = arith.addi %mul3A_244, %add3A_245 : i32
        %mul3A_247 = arith.constant 256000 : i32
        %mul3A_248 = arith.muli %add3A_246, %mul3A_247 : i32
        %add3A_249 = arith.addi %mul3A_3, %mul3A_248 : i32
        %mul3A_250 = arith.constant 16000 : i32
        %mul3A_251 = arith.muli %arg1, %mul3A_250 : i32
        %add3A_252 = arith.addi %add3A_249, %mul3A_251 : i32
        %dma_start3A_253 = arith.constant 0 : i32
        %dma_start3A_254 = tpu.memref_slice %arg5[%arg1, %dma_start3A_253] : memref<16x16000xf32, #tpu.memory_space<vmem_shared>> -> memref<1x16000xf32, #tpu.memory_space<vmem_shared>>
        %dma_start3A_255 = tpu.memref_squeeze %dma_start3A_254 : memref<1x16000xf32, #tpu.memory_space<vmem_shared>> -> memref<16000xf32, #tpu.memory_space<vmem_shared>>
        %dma_start3A_256 = tpu.memref_slice %arg2[%add3A_252] : memref<128000000xf32, #tpu.memory_space<hbm>> -> memref<16000xf32, #tpu.memory_space<hbm>>
        tpu.enqueue_dma source(%dma_start3A_256 : memref<16000xf32, #tpu.memory_space<hbm>>) target(%dma_start3A_255 : memref<16000xf32, #tpu.memory_space<vmem_shared>>) target_semaphore(%arg15 : memref<!tpu.dma_semaphore, #tpu.memory_space<semaphore_mem>>)
        %add3A_257 = arith.constant 64000000 : i32
        %add3A_258 = arith.addi %add3A_257, %add3A_252 : i32
        %dma_start3A_259 = arith.constant 0 : i32
        %dma_start3A_260 = tpu.memref_slice %arg7[%arg1, %dma_start3A_259] : memref<16x16000xf32, #tpu.memory_space<vmem_shared>> -> memref<1x16000xf32, #tpu.memory_space<vmem_shared>>
        %dma_start3A_261 = tpu.memref_squeeze %dma_start3A_260 : memref<1x16000xf32, #tpu.memory_space<vmem_shared>> -> memref<16000xf32, #tpu.memory_space<vmem_shared>>
        %dma_start3A_262 = tpu.memref_slice %arg2[%add3A_258] : memref<128000000xf32, #tpu.memory_space<hbm>> -> memref<16000xf32, #tpu.memory_space<hbm>>
        tpu.enqueue_dma source(%dma_start3A_262 : memref<16000xf32, #tpu.memory_space<hbm>>) target(%dma_start3A_261 : memref<16000xf32, #tpu.memory_space<vmem_shared>>) target_semaphore(%arg17 : memref<!tpu.dma_semaphore, #tpu.memory_space<semaphore_mem>>)
      } else {
      }
      %dma_wait3A_200 = arith.constant 0 : i32
      %dma_wait3A_201 = tpu.memref_slice %arg4[%arg1, %dma_wait3A_200] : memref<16x16000xf32, #tpu.memory_space<vmem_shared>> -> memref<1x16000xf32, #tpu.memory_space<vmem_shared>>
      %dma_wait3A_202 = tpu.memref_squeeze %dma_wait3A_201 : memref<1x16000xf32, #tpu.memory_space<vmem_shared>> -> memref<16000xf32, #tpu.memory_space<vmem_shared>>
      %dma_wait3A_203 = arith.constant 0 : i32
      %dma_wait3A_204 = tpu.memref_slice %arg2[%dma_wait3A_203] : memref<128000000xf32, #tpu.memory_space<hbm>> -> memref<16000xf32, #tpu.memory_space<hbm>>
      tpu.wait_dma2 semaphore(%arg14 : memref<!tpu.dma_semaphore, #tpu.memory_space<semaphore_mem>>) src(%dma_wait3A_204 : memref<16000xf32, #tpu.memory_space<hbm>>) dst(%dma_wait3A_202 : memref<16000xf32, #tpu.memory_space<vmem_shared>>)
      %dma_wait3A_205 = arith.constant 0 : i32
      %dma_wait3A_206 = tpu.memref_slice %arg6[%arg1, %dma_wait3A_205] : memref<16x16000xf32, #tpu.memory_space<vmem_shared>> -> memref<1x16000xf32, #tpu.memory_space<vmem_shared>>
      %dma_wait3A_207 = tpu.memref_squeeze %dma_wait3A_206 : memref<1x16000xf32, #tpu.memory_space<vmem_shared>> -> memref<16000xf32, #tpu.memory_space<vmem_shared>>
      %dma_wait3A_208 = arith.constant 0 : i32
      %dma_wait3A_209 = tpu.memref_slice %arg2[%dma_wait3A_208] : memref<128000000xf32, #tpu.memory_space<hbm>> -> memref<16000xf32, #tpu.memory_space<hbm>>
      tpu.wait_dma2 semaphore(%arg16 : memref<!tpu.dma_semaphore, #tpu.memory_space<semaphore_mem>>) src(%dma_wait3A_209 : memref<16000xf32, #tpu.memory_space<hbm>>) dst(%dma_wait3A_207 : memref<16000xf32, #tpu.memory_space<vmem_shared>>)
      %dma_start3A_210 = arith.constant 0 : i32
      %dma_start3A_211 = tpu.memref_slice %arg8[%dma_start3A_210] : memref<16384xf32, #tpu.memory_space<vmem>> -> memref<16000xf32, #tpu.memory_space<vmem>>
      %dma_start3A_212 = arith.constant 0 : i32
      %dma_start3A_213 = tpu.memref_slice %arg4[%arg1, %dma_start3A_212] : memref<16x16000xf32, #tpu.memory_space<vmem_shared>> -> memref<1x16000xf32, #tpu.memory_space<vmem_shared>>
      %dma_start3A_214 = tpu.memref_squeeze %dma_start3A_213 : memref<1x16000xf32, #tpu.memory_space<vmem_shared>> -> memref<16000xf32, #tpu.memory_space<vmem_shared>>
      %dma_start3A_215 = arith.constant 0 : i32
      %dma_start3A_216 = tpu.memref_slice %arg8[%dma_start3A_215] : memref<16384xf32, #tpu.memory_space<vmem>> -> memref<16000xf32, #tpu.memory_space<vmem>>
      %dma_start3A_217 = arith.constant 0 : i32
      %dma_start3A_218 = tpu.memref_slice %arg4[%arg1, %dma_start3A_217] : memref<16x16000xf32, #tpu.memory_space<vmem_shared>> -> memref<1x16000xf32, #tpu.memory_space<vmem_shared>>
      %dma_start3A_219 = tpu.memref_squeeze %dma_start3A_218 : memref<1x16000xf32, #tpu.memory_space<vmem_shared>> -> memref<16000xf32, #tpu.memory_space<vmem_shared>>
      tpu.enqueue_dma source(%dma_start3A_219 : memref<16000xf32, #tpu.memory_space<vmem_shared>>) target(%dma_start3A_216 : memref<16000xf32, #tpu.memory_space<vmem>>) target_semaphore(%arg18 : memref<!tpu.dma_semaphore, #tpu.memory_space<semaphore_mem>>)
      %dma_start3A_220 = arith.constant 0 : i32
      %dma_start3A_221 = tpu.memref_slice %arg10[%dma_start3A_220] : memref<16384xf32, #tpu.memory_space<vmem>> -> memref<16000xf32, #tpu.memory_space<vmem>>
      %dma_start3A_222 = arith.constant 0 : i32
      %dma_start3A_223 = tpu.memref_slice %arg6[%arg1, %dma_start3A_222] : memref<16x16000xf32, #tpu.memory_space<vmem_shared>> -> memref<1x16000xf32, #tpu.memory_space<vmem_shared>>
      %dma_start3A_224 = tpu.memref_squeeze %dma_start3A_223 : memref<1x16000xf32, #tpu.memory_space<vmem_shared>> -> memref<16000xf32, #tpu.memory_space<vmem_shared>>
      %dma_start3A_225 = arith.constant 0 : i32
      %dma_start3A_226 = tpu.memref_slice %arg10[%dma_start3A_225] : memref<16384xf32, #tpu.memory_space<vmem>> -> memref<16000xf32, #tpu.memory_space<vmem>>
      %dma_start3A_227 = arith.constant 0 : i32
      %dma_start3A_228 = tpu.memref_slice %arg6[%arg1, %dma_start3A_227] : memref<16x16000xf32, #tpu.memory_space<vmem_shared>> -> memref<1x16000xf32, #tpu.memory_space<vmem_shared>>
      %dma_start3A_229 = tpu.memref_squeeze %dma_start3A_228 : memref<1x16000xf32, #tpu.memory_space<vmem_shared>> -> memref<16000xf32, #tpu.memory_space<vmem_shared>>
      tpu.enqueue_dma source(%dma_start3A_229 : memref<16000xf32, #tpu.memory_space<vmem_shared>>) target(%dma_start3A_226 : memref<16000xf32, #tpu.memory_space<vmem>>) target_semaphore(%arg20 : memref<!tpu.dma_semaphore, #tpu.memory_space<semaphore_mem>>)
      %mul3A_230 = arith.constant 2 : i32
      %mul3A_231 = arith.muli %mul3A_230, %scan3A_96 : i32
      %add3A_232 = arith.constant 1 : i32
      %add3A_233 = arith.addi %mul3A_231, %add3A_232 : i32
      %scan3A_234 = arith.constant 0 : i32
      %scan3A_235 = arith.constant 0 : i32
      %scan3A_236 = arith.constant 16 : i32
      %scan3A_237 = arith.addi %scan3A_235, %scan3A_236 : i32
      %scan3A_238 = arith.constant 1 : i32
      scf.for %scan3A_243 = %scan3A_235 to %scan3A_237 step %scan3A_238  : i32 {
        %mul3A_244 = arith.constant 1024 : i32
        %mul3A_245 = arith.muli %scan3A_243, %mul3A_244 : i32
        %add3A_246 = vector.broadcast %mul3A_245 : i32 to vector<16xi32>
        %add3A_247 = arith.addi %add3A_246, %mul3A_1 : vector<16xi32>
        %broadcast_in_dim3A = arith.constant 0.000000e+00 : f32
        %broadcast_in_dim3A_248 = vector.broadcast %broadcast_in_dim3A : f32 to vector<16xf32>
        %scan3A_249 = arith.constant 0 : i32
        %scan3A_250 = arith.constant 4 : i32
        %scan3A_251 = arith.addi %scan3A_249, %scan3A_250 : i32
        %scan3A_252 = arith.constant 1 : i32
        %scan3A_253:4 = scf.for %scan3A_261 = %scan3A_249 to %scan3A_251 step %scan3A_252 iter_args(%scan3A_262 = %broadcast_in_dim3A_248, %scan3A_263 = %broadcast_in_dim3A_248, %scan3A_264 = %broadcast_in_dim3A_248, %scan3A_265 = %broadcast_in_dim3A_248) -> (vector<16xf32>, vector<16xf32>, vector<16xf32>, vector<16xf32>)  : i32 {
          %mul3A_266 = arith.constant 16 : i32
          %mul3A_267 = arith.muli %scan3A_261, %mul3A_266 : i32
          %add3A_268 = arith.constant 0 : i32
          %add3A_269 = arith.addi %mul3A_267, %add3A_268 : i32
          %add3A_270 = vector.broadcast %add3A_269 : i32 to vector<16xi32>
          %add3A_271 = arith.addi %iota3A, %add3A_270 : vector<16xi32>
          %and3A = arith.constant 63 : i32
          %and3A_272 = vector.broadcast %and3A : i32 to vector<16xi32>
          %and3A_273 = arith.andi %add3A_271, %and3A_272 : vector<16xi32>
          %add3A_274 = arith.addi %add3A_247, %and3A_273 : vector<16xi32>
          %add3A_275 = arith.constant 0 : i32
          %add3A_276 = arith.addi %mul3A_267, %add3A_275 : i32
          %add3A_277 = arith.constant 1 : i32
          %add3A_278 = arith.addi %add3A_276, %add3A_277 : i32
          %add3A_279 = vector.broadcast %add3A_278 : i32 to vector<16xi32>
          %add3A_280 = arith.addi %iota3A, %add3A_279 : vector<16xi32>
          %and3A_281 = arith.constant 63 : i32
          %and3A_282 = vector.broadcast %and3A_281 : i32 to vector<16xi32>
          %and3A_283 = arith.andi %add3A_280, %and3A_282 : vector<16xi32>
          %add3A_284 = arith.addi %add3A_247, %and3A_283 : vector<16xi32>
          %add3A_285 = arith.constant 0 : i32
          %add3A_286 = arith.addi %mul3A_267, %add3A_285 : i32
          %add3A_287 = arith.constant 2 : i32
          %add3A_288 = arith.addi %add3A_286, %add3A_287 : i32
          %add3A_289 = vector.broadcast %add3A_288 : i32 to vector<16xi32>
          %add3A_290 = arith.addi %iota3A, %add3A_289 : vector<16xi32>
          %and3A_291 = arith.constant 63 : i32
          %and3A_292 = vector.broadcast %and3A_291 : i32 to vector<16xi32>
          %and3A_293 = arith.andi %add3A_290, %and3A_292 : vector<16xi32>
          %add3A_294 = arith.addi %add3A_247, %and3A_293 : vector<16xi32>
          %add3A_295 = arith.constant 0 : i32
          %add3A_296 = arith.addi %mul3A_267, %add3A_295 : i32
          %add3A_297 = arith.constant 3 : i32
          %add3A_298 = arith.addi %add3A_296, %add3A_297 : i32
          %add3A_299 = vector.broadcast %add3A_298 : i32 to vector<16xi32>
          %add3A_300 = arith.addi %iota3A, %add3A_299 : vector<16xi32>
          %and3A_301 = arith.constant 63 : i32
          %and3A_302 = vector.broadcast %and3A_301 : i32 to vector<16xi32>
          %and3A_303 = arith.andi %add3A_300, %and3A_302 : vector<16xi32>
          %add3A_304 = arith.addi %add3A_247, %and3A_303 : vector<16xi32>
          %gather3A = tpu.vector_load_idx %arg9[%add3A_274] : memref<16384xf32, #tpu.memory_space<vmem>>[vector<16xi32>], vector<16xf32>,
          %gather3A_305 = tpu.vector_load_idx %arg11[%add3A_274] : memref<16384xf32, #tpu.memory_space<vmem>>[vector<16xi32>], vector<16xf32>,
          %mul3A_306 = arith.mulf %gather3A, %gather3A_305 : vector<16xf32>
          %add3A_307 = arith.addf %scan3A_262, %mul3A_306 : vector<16xf32>
          %gather3A_308 = tpu.vector_load_idx %arg9[%add3A_284] : memref<16384xf32, #tpu.memory_space<vmem>>[vector<16xi32>], vector<16xf32>,
          %gather3A_309 = tpu.vector_load_idx %arg11[%add3A_284] : memref<16384xf32, #tpu.memory_space<vmem>>[vector<16xi32>], vector<16xf32>,
          %mul3A_310 = arith.mulf %gather3A_308, %gather3A_309 : vector<16xf32>
          %add3A_311 = arith.addf %scan3A_263, %mul3A_310 : vector<16xf32>
          %gather3A_312 = tpu.vector_load_idx %arg9[%add3A_294] : memref<16384xf32, #tpu.memory_space<vmem>>[vector<16xi32>], vector<16xf32>,
          %gather3A_313 = tpu.vector_load_idx %arg11[%add3A_294] : memref<16384xf32, #tpu.memory_space<vmem>>[vector<16xi32>], vector<16xf32>,
          %mul3A_314 = arith.mulf %gather3A_312, %gather3A_313 : vector<16xf32>
          %add3A_315 = arith.addf %scan3A_264, %mul3A_314 : vector<16xf32>
          %gather3A_316 = tpu.vector_load_idx %arg9[%add3A_304] : memref<16384xf32, #tpu.memory_space<vmem>>[vector<16xi32>], vector<16xf32>,
          %gather3A_317 = tpu.vector_load_idx %arg11[%add3A_304] : memref<16384xf32, #tpu.memory_space<vmem>>[vector<16xi32>], vector<16xf32>,
          %mul3A_318 = arith.mulf %gather3A_316, %gather3A_317 : vector<16xf32>
          %add3A_319 = arith.addf %scan3A_265, %mul3A_318 : vector<16xf32>
          %add3A_320 = arith.constant 4 : i32
          %add3A_321 = arith.addi %mul3A_267, %add3A_320 : i32
          %add3A_322 = vector.broadcast %add3A_321 : i32 to vector<16xi32>
          %add3A_323 = arith.addi %iota3A, %add3A_322 : vector<16xi32>
          %and3A_324 = arith.constant 63 : i32
          %and3A_325 = vector.broadcast %and3A_324 : i32 to vector<16xi32>
          %and3A_326 = arith.andi %add3A_323, %and3A_325 : vector<16xi32>
          %add3A_327 = arith.addi %add3A_247, %and3A_326 : vector<16xi32>
          %add3A_328 = arith.constant 4 : i32
          %add3A_329 = arith.addi %mul3A_267, %add3A_328 : i32
          %add3A_330 = arith.constant 1 : i32
          %add3A_331 = arith.addi %add3A_329, %add3A_330 : i32
          %add3A_332 = vector.broadcast %add3A_331 : i32 to vector<16xi32>
          %add3A_333 = arith.addi %iota3A, %add3A_332 : vector<16xi32>
          %and3A_334 = arith.constant 63 : i32
          %and3A_335 = vector.broadcast %and3A_334 : i32 to vector<16xi32>
          %and3A_336 = arith.andi %add3A_333, %and3A_335 : vector<16xi32>
          %add3A_337 = arith.addi %add3A_247, %and3A_336 : vector<16xi32>
          %add3A_338 = arith.constant 4 : i32
          %add3A_339 = arith.addi %mul3A_267, %add3A_338 : i32
          %add3A_340 = arith.constant 2 : i32
          %add3A_341 = arith.addi %add3A_339, %add3A_340 : i32
          %add3A_342 = vector.broadcast %add3A_341 : i32 to vector<16xi32>
          %add3A_343 = arith.addi %iota3A, %add3A_342 : vector<16xi32>
          %and3A_344 = arith.constant 63 : i32
          %and3A_345 = vector.broadcast %and3A_344 : i32 to vector<16xi32>
          %and3A_346 = arith.andi %add3A_343, %and3A_345 : vector<16xi32>
          %add3A_347 = arith.addi %add3A_247, %and3A_346 : vector<16xi32>
          %add3A_348 = arith.constant 4 : i32
          %add3A_349 = arith.addi %mul3A_267, %add3A_348 : i32
          %add3A_350 = arith.constant 3 : i32
          %add3A_351 = arith.addi %add3A_349, %add3A_350 : i32
          %add3A_352 = vector.broadcast %add3A_351 : i32 to vector<16xi32>
          %add3A_353 = arith.addi %iota3A, %add3A_352 : vector<16xi32>
          %and3A_354 = arith.constant 63 : i32
          %and3A_355 = vector.broadcast %and3A_354 : i32 to vector<16xi32>
          %and3A_356 = arith.andi %add3A_353, %and3A_355 : vector<16xi32>
          %add3A_357 = arith.addi %add3A_247, %and3A_356 : vector<16xi32>
          %gather3A_358 = tpu.vector_load_idx %arg9[%add3A_327] : memref<16384xf32, #tpu.memory_space<vmem>>[vector<16xi32>], vector<16xf32>,
          %gather3A_359 = tpu.vector_load_idx %arg11[%add3A_327] : memref<16384xf32, #tpu.memory_space<vmem>>[vector<16xi32>], vector<16xf32>,
          %mul3A_360 = arith.mulf %gather3A_358, %gather3A_359 : vector<16xf32>
          %add3A_361 = arith.addf %add3A_307, %mul3A_360 : vector<16xf32>
          %gather3A_362 = tpu.vector_load_idx %arg9[%add3A_337] : memref<16384xf32, #tpu.memory_space<vmem>>[vector<16xi32>], vector<16xf32>,
          %gather3A_363 = tpu.vector_load_idx %arg11[%add3A_337] : memref<16384xf32, #tpu.memory_space<vmem>>[vector<16xi32>], vector<16xf32>,
          %mul3A_364 = arith.mulf %gather3A_362, %gather3A_363 : vector<16xf32>
          %add3A_365 = arith.addf %add3A_311, %mul3A_364 : vector<16xf32>
          %gather3A_366 = tpu.vector_load_idx %arg9[%add3A_347] : memref<16384xf32, #tpu.memory_space<vmem>>[vector<16xi32>], vector<16xf32>,
          %gather3A_367 = tpu.vector_load_idx %arg11[%add3A_347] : memref<16384xf32, #tpu.memory_space<vmem>>[vector<16xi32>], vector<16xf32>,
          %mul3A_368 = arith.mulf %gather3A_366, %gather3A_367 : vector<16xf32>
          %add3A_369 = arith.addf %add3A_315, %mul3A_368 : vector<16xf32>
          %gather3A_370 = tpu.vector_load_idx %arg9[%add3A_357] : memref<16384xf32, #tpu.memory_space<vmem>>[vector<16xi32>], vector<16xf32>,
          %gather3A_371 = tpu.vector_load_idx %arg11[%add3A_357] : memref<16384xf32, #tpu.memory_space<vmem>>[vector<16xi32>], vector<16xf32>,
          %mul3A_372 = arith.mulf %gather3A_370, %gather3A_371 : vector<16xf32>
          %add3A_373 = arith.addf %add3A_319, %mul3A_372 : vector<16xf32>
          %add3A_374 = arith.constant 8 : i32
          %add3A_375 = arith.addi %mul3A_267, %add3A_374 : i32
          %add3A_376 = vector.broadcast %add3A_375 : i32 to vector<16xi32>
          %add3A_377 = arith.addi %iota3A, %add3A_376 : vector<16xi32>
          %and3A_378 = arith.constant 63 : i32
          %and3A_379 = vector.broadcast %and3A_378 : i32 to vector<16xi32>
          %and3A_380 = arith.andi %add3A_377, %and3A_379 : vector<16xi32>
          %add3A_381 = arith.addi %add3A_247, %and3A_380 : vector<16xi32>
          %add3A_382 = arith.constant 8 : i32
          %add3A_383 = arith.addi %mul3A_267, %add3A_382 : i32
          %add3A_384 = arith.constant 1 : i32
          %add3A_385 = arith.addi %add3A_383, %add3A_384 : i32
          %add3A_386 = vector.broadcast %add3A_385 : i32 to vector<16xi32>
          %add3A_387 = arith.addi %iota3A, %add3A_386 : vector<16xi32>
          %and3A_388 = arith.constant 63 : i32
          %and3A_389 = vector.broadcast %and3A_388 : i32 to vector<16xi32>
          %and3A_390 = arith.andi %add3A_387, %and3A_389 : vector<16xi32>
          %add3A_391 = arith.addi %add3A_247, %and3A_390 : vector<16xi32>
          %add3A_392 = arith.constant 8 : i32
          %add3A_393 = arith.addi %mul3A_267, %add3A_392 : i32
          %add3A_394 = arith.constant 2 : i32
          %add3A_395 = arith.addi %add3A_393, %add3A_394 : i32
          %add3A_396 = vector.broadcast %add3A_395 : i32 to vector<16xi32>
          %add3A_397 = arith.addi %iota3A, %add3A_396 : vector<16xi32>
          %and3A_398 = arith.constant 63 : i32
          %and3A_399 = vector.broadcast %and3A_398 : i32 to vector<16xi32>
          %and3A_400 = arith.andi %add3A_397, %and3A_399 : vector<16xi32>
          %add3A_401 = arith.addi %add3A_247, %and3A_400 : vector<16xi32>
          %add3A_402 = arith.constant 8 : i32
          %add3A_403 = arith.addi %mul3A_267, %add3A_402 : i32
          %add3A_404 = arith.constant 3 : i32
          %add3A_405 = arith.addi %add3A_403, %add3A_404 : i32
          %add3A_406 = vector.broadcast %add3A_405 : i32 to vector<16xi32>
          %add3A_407 = arith.addi %iota3A, %add3A_406 : vector<16xi32>
          %and3A_408 = arith.constant 63 : i32
          %and3A_409 = vector.broadcast %and3A_408 : i32 to vector<16xi32>
          %and3A_410 = arith.andi %add3A_407, %and3A_409 : vector<16xi32>
          %add3A_411 = arith.addi %add3A_247, %and3A_410 : vector<16xi32>
          %gather3A_412 = tpu.vector_load_idx %arg9[%add3A_381] : memref<16384xf32, #tpu.memory_space<vmem>>[vector<16xi32>], vector<16xf32>,
          %gather3A_413 = tpu.vector_load_idx %arg11[%add3A_381] : memref<16384xf32, #tpu.memory_space<vmem>>[vector<16xi32>], vector<16xf32>,
          %mul3A_414 = arith.mulf %gather3A_412, %gather3A_413 : vector<16xf32>
          %add3A_415 = arith.addf %add3A_361, %mul3A_414 : vector<16xf32>
          %gather3A_416 = tpu.vector_load_idx %arg9[%add3A_391] : memref<16384xf32, #tpu.memory_space<vmem>>[vector<16xi32>], vector<16xf32>,
          %gather3A_417 = tpu.vector_load_idx %arg11[%add3A_391] : memref<16384xf32, #tpu.memory_space<vmem>>[vector<16xi32>], vector<16xf32>,
          %mul3A_418 = arith.mulf %gather3A_416, %gather3A_417 : vector<16xf32>
          %add3A_419 = arith.addf %add3A_365, %mul3A_418 : vector<16xf32>
          %gather3A_420 = tpu.vector_load_idx %arg9[%add3A_401] : memref<16384xf32, #tpu.memory_space<vmem>>[vector<16xi32>], vector<16xf32>,
          %gather3A_421 = tpu.vector_load_idx %arg11[%add3A_401] : memref<16384xf32, #tpu.memory_space<vmem>>[vector<16xi32>], vector<16xf32>,
          %mul3A_422 = arith.mulf %gather3A_420, %gather3A_421 : vector<16xf32>
          %add3A_423 = arith.addf %add3A_369, %mul3A_422 : vector<16xf32>
          %gather3A_424 = tpu.vector_load_idx %arg9[%add3A_411] : memref<16384xf32, #tpu.memory_space<vmem>>[vector<16xi32>], vector<16xf32>,
          %gather3A_425 = tpu.vector_load_idx %arg11[%add3A_411] : memref<16384xf32, #tpu.memory_space<vmem>>[vector<16xi32>], vector<16xf32>,
          %mul3A_426 = arith.mulf %gather3A_424, %gather3A_425 : vector<16xf32>
          %add3A_427 = arith.addf %add3A_373, %mul3A_426 : vector<16xf32>
          %add3A_428 = arith.constant 12 : i32
          %add3A_429 = arith.addi %mul3A_267, %add3A_428 : i32
          %add3A_430 = vector.broadcast %add3A_429 : i32 to vector<16xi32>
          %add3A_431 = arith.addi %iota3A, %add3A_430 : vector<16xi32>
          %and3A_432 = arith.constant 63 : i32
          %and3A_433 = vector.broadcast %and3A_432 : i32 to vector<16xi32>
          %and3A_434 = arith.andi %add3A_431, %and3A_433 : vector<16xi32>
          %add3A_435 = arith.addi %add3A_247, %and3A_434 : vector<16xi32>
          %add3A_436 = arith.constant 12 : i32
          %add3A_437 = arith.addi %mul3A_267, %add3A_436 : i32
          %add3A_438 = arith.constant 1 : i32
          %add3A_439 = arith.addi %add3A_437, %add3A_438 : i32
          %add3A_440 = vector.broadcast %add3A_439 : i32 to vector<16xi32>
          %add3A_441 = arith.addi %iota3A, %add3A_440 : vector<16xi32>
          %and3A_442 = arith.constant 63 : i32
          %and3A_443 = vector.broadcast %and3A_442 : i32 to vector<16xi32>
          %and3A_444 = arith.andi %add3A_441, %and3A_443 : vector<16xi32>
          %add3A_445 = arith.addi %add3A_247, %and3A_444 : vector<16xi32>
          %add3A_446 = arith.constant 12 : i32
          %add3A_447 = arith.addi %mul3A_267, %add3A_446 : i32
          %add3A_448 = arith.constant 2 : i32
          %add3A_449 = arith.addi %add3A_447, %add3A_448 : i32
          %add3A_450 = vector.broadcast %add3A_449 : i32 to vector<16xi32>
          %add3A_451 = arith.addi %iota3A, %add3A_450 : vector<16xi32>
          %and3A_452 = arith.constant 63 : i32
          %and3A_453 = vector.broadcast %and3A_452 : i32 to vector<16xi32>
          %and3A_454 = arith.andi %add3A_451, %and3A_453 : vector<16xi32>
          %add3A_455 = arith.addi %add3A_247, %and3A_454 : vector<16xi32>
          %add3A_456 = arith.constant 12 : i32
          %add3A_457 = arith.addi %mul3A_267, %add3A_456 : i32
          %add3A_458 = arith.constant 3 : i32
          %add3A_459 = arith.addi %add3A_457, %add3A_458 : i32
          %add3A_460 = vector.broadcast %add3A_459 : i32 to vector<16xi32>
          %add3A_461 = arith.addi %iota3A, %add3A_460 : vector<16xi32>
          %and3A_462 = arith.constant 63 : i32
          %and3A_463 = vector.broadcast %and3A_462 : i32 to vector<16xi32>
          %and3A_464 = arith.andi %add3A_461, %and3A_463 : vector<16xi32>
          %add3A_465 = arith.addi %add3A_247, %and3A_464 : vector<16xi32>
          %gather3A_466 = tpu.vector_load_idx %arg9[%add3A_435] : memref<16384xf32, #tpu.memory_space<vmem>>[vector<16xi32>], vector<16xf32>,
          %gather3A_467 = tpu.vector_load_idx %arg11[%add3A_435] : memref<16384xf32, #tpu.memory_space<vmem>>[vector<16xi32>], vector<16xf32>,
          %mul3A_468 = arith.mulf %gather3A_466, %gather3A_467 : vector<16xf32>
          %add3A_469 = arith.addf %add3A_415, %mul3A_468 : vector<16xf32>
          %gather3A_470 = tpu.vector_load_idx %arg9[%add3A_445] : memref<16384xf32, #tpu.memory_space<vmem>>[vector<16xi32>], vector<16xf32>,
          %gather3A_471 = tpu.vector_load_idx %arg11[%add3A_445] : memref<16384xf32, #tpu.memory_space<vmem>>[vector<16xi32>], vector<16xf32>,
          %mul3A_472 = arith.mulf %gather3A_470, %gather3A_471 : vector<16xf32>
          %add3A_473 = arith.addf %add3A_419, %mul3A_472 : vector<16xf32>
          %gather3A_474 = tpu.vector_load_idx %arg9[%add3A_455] : memref<16384xf32, #tpu.memory_space<vmem>>[vector<16xi32>], vector<16xf32>,
          %gather3A_475 = tpu.vector_load_idx %arg11[%add3A_455] : memref<16384xf32, #tpu.memory_space<vmem>>[vector<16xi32>], vector<16xf32>,
          %mul3A_476 = arith.mulf %gather3A_474, %gather3A_475 : vector<16xf32>
          %add3A_477 = arith.addf %add3A_423, %mul3A_476 : vector<16xf32>
          %gather3A_478 = tpu.vector_load_idx %arg9[%add3A_465] : memref<16384xf32, #tpu.memory_space<vmem>>[vector<16xi32>], vector<16xf32>,
          %gather3A_479 = tpu.vector_load_idx %arg11[%add3A_465] : memref<16384xf32, #tpu.memory_space<vmem>>[vector<16xi32>], vector<16xf32>,
          %mul3A_480 = arith.mulf %gather3A_478, %gather3A_479 : vector<16xf32>
          %add3A_481 = arith.addf %add3A_427, %mul3A_480 : vector<16xf32>
          scf.yield %add3A_469, %add3A_473, %add3A_477, %add3A_481 : vector<16xf32>, vector<16xf32>, vector<16xf32>, vector<16xf32>
        }
        %scan3A_254 = arith.constant 4 : i32
        %add3A_255 = arith.addf %scan3A_253#0, %scan3A_253#1 : vector<16xf32>
        %add3A_256 = arith.addf %scan3A_253#2, %scan3A_253#3 : vector<16xf32>
        %add3A_257 = arith.addf %add3A_255, %add3A_256 : vector<16xf32>
        %mul3A_258 = arith.constant 16 : i32
        %mul3A_259 = arith.muli %scan3A_243, %mul3A_258 : i32
        %swap3A = arith.index_cast %mul3A_259 : i32 to index
        %swap3A_260 = tpu.vector_load %arg13[%swap3A] {strides = array<i32>} : memref<256xf32, #tpu.memory_space<vmem>>, vector<16xf32>,
        tpu.vector_store %arg13[%swap3A], %add3A_257 {strides = array<i32>} : memref<256xf32, #tpu.memory_space<vmem>>, vector<16xf32>,
      }
      %scan3A_239 = arith.constant 16 : i32
      %mul3A_240 = arith.constant 125 : i32
      %mul3A_241 = arith.muli %arg0, %mul3A_240 : i32
      %add3A_242 = arith.addi %mul3A_241, %add3A_233 : i32
      "tpu.region"() ({
        %run_scoped3A = tpu.sem_alloc : memref<!tpu.dma_semaphore, #tpu.memory_space<semaphore_mem>>
        %dma_start3A_243 = arith.constant 0 : i32
        %dma_start3A_244 = tpu.memref_slice %arg3[%add3A_242, %arg1, %dma_start3A_243] : memref<250x16x256xf32, #tpu.memory_space<hbm>> -> memref<1x1x256xf32, #tpu.memory_space<hbm>>
        %dma_start3A_245 = tpu.memref_squeeze %dma_start3A_244 : memref<1x1x256xf32, #tpu.memory_space<hbm>> -> memref<256xf32, #tpu.memory_space<hbm>>
        %dma_start3A_246 = arith.constant 0 : i32
        %dma_start3A_247 = tpu.memref_slice %arg3[%add3A_242, %arg1, %dma_start3A_246] : memref<250x16x256xf32, #tpu.memory_space<hbm>> -> memref<1x1x256xf32, #tpu.memory_space<hbm>>
        %dma_start3A_248 = tpu.memref_squeeze %dma_start3A_247 : memref<1x1x256xf32, #tpu.memory_space<hbm>> -> memref<256xf32, #tpu.memory_space<hbm>>
        tpu.enqueue_dma source(%arg13 : memref<256xf32, #tpu.memory_space<vmem>>) target(%dma_start3A_248 : memref<256xf32, #tpu.memory_space<hbm>>) target_semaphore(%run_scoped3A : memref<!tpu.dma_semaphore, #tpu.memory_space<semaphore_mem>>)
        %dma_wait3A_249 = arith.constant 0 : i32
        %dma_wait3A_250 = tpu.memref_slice %arg3[%add3A_242, %arg1, %dma_wait3A_249] : memref<250x16x256xf32, #tpu.memory_space<hbm>> -> memref<1x1x256xf32, #tpu.memory_space<hbm>>
        %dma_wait3A_251 = tpu.memref_squeeze %dma_wait3A_250 : memref<1x1x256xf32, #tpu.memory_space<hbm>> -> memref<256xf32, #tpu.memory_space<hbm>>
        %dma_wait3A_252 = arith.constant 0 : i32
        %dma_wait3A_253 = tpu.memref_slice %arg3[%add3A_242, %arg1, %dma_wait3A_252] : memref<250x16x256xf32, #tpu.memory_space<hbm>> -> memref<1x1x256xf32, #tpu.memory_space<hbm>>
        %dma_wait3A_254 = tpu.memref_squeeze %dma_wait3A_253 : memref<1x1x256xf32, #tpu.memory_space<hbm>> -> memref<256xf32, #tpu.memory_space<hbm>>
        tpu.wait_dma2 semaphore(%run_scoped3A : memref<!tpu.dma_semaphore, #tpu.memory_space<semaphore_mem>>) src(%arg13 : memref<256xf32, #tpu.memory_space<vmem>>) dst(%dma_wait3A_254 : memref<256xf32, #tpu.memory_space<hbm>>)
        tpu.yield
      }) : () -> ()
    }
    %scan3A_65 = arith.constant 62 : i32
    %dma_wait3A_66 = arith.constant 0 : i32
    %dma_wait3A_67 = tpu.memref_slice %arg8[%dma_wait3A_66] : memref<16384xf32, #tpu.memory_space<vmem>> -> memref<16000xf32, #tpu.memory_space<vmem>>
    %dma_wait3A_68 = arith.constant 0 : i32
    %dma_wait3A_69 = tpu.memref_slice %arg4[%arg1, %dma_wait3A_68] : memref<16x16000xf32, #tpu.memory_space<vmem_shared>> -> memref<1x16000xf32, #tpu.memory_space<vmem_shared>>
    %dma_wait3A_70 = tpu.memref_squeeze %dma_wait3A_69 : memref<1x16000xf32, #tpu.memory_space<vmem_shared>> -> memref<16000xf32, #tpu.memory_space<vmem_shared>>
    %dma_wait3A_71 = arith.constant 0 : i32
    %dma_wait3A_72 = tpu.memref_slice %arg8[%dma_wait3A_71] : memref<16384xf32, #tpu.memory_space<vmem>> -> memref<16000xf32, #tpu.memory_space<vmem>>
    %dma_wait3A_73 = arith.constant 0 : i32
    %dma_wait3A_74 = tpu.memref_slice %arg4[%arg1, %dma_wait3A_73] : memref<16x16000xf32, #tpu.memory_space<vmem_shared>> -> memref<1x16000xf32, #tpu.memory_space<vmem_shared>>
    %dma_wait3A_75 = tpu.memref_squeeze %dma_wait3A_74 : memref<1x16000xf32, #tpu.memory_space<vmem_shared>> -> memref<16000xf32, #tpu.memory_space<vmem_shared>>
    tpu.wait_dma2 semaphore(%arg18 : memref<!tpu.dma_semaphore, #tpu.memory_space<semaphore_mem>>) src(%dma_wait3A_75 : memref<16000xf32, #tpu.memory_space<vmem_shared>>) dst(%dma_wait3A_72 : memref<16000xf32, #tpu.memory_space<vmem>>)
    %dma_wait3A_76 = arith.constant 0 : i32
    %dma_wait3A_77 = tpu.memref_slice %arg10[%dma_wait3A_76] : memref<16384xf32, #tpu.memory_space<vmem>> -> memref<16000xf32, #tpu.memory_space<vmem>>
    %dma_wait3A_78 = arith.constant 0 : i32
    %dma_wait3A_79 = tpu.memref_slice %arg6[%arg1, %dma_wait3A_78] : memref<16x16000xf32, #tpu.memory_space<vmem_shared>> -> memref<1x16000xf32, #tpu.memory_space<vmem_shared>>
    %dma_wait3A_80 = tpu.memref_squeeze %dma_wait3A_79 : memref<1x16000xf32, #tpu.memory_space<vmem_shared>> -> memref<16000xf32, #tpu.memory_space<vmem_shared>>
    %dma_wait3A_81 = arith.constant 0 : i32
    %dma_wait3A_82 = tpu.memref_slice %arg10[%dma_wait3A_81] : memref<16384xf32, #tpu.memory_space<vmem>> -> memref<16000xf32, #tpu.memory_space<vmem>>
    %dma_wait3A_83 = arith.constant 0 : i32
    %dma_wait3A_84 = tpu.memref_slice %arg6[%arg1, %dma_wait3A_83] : memref<16x16000xf32, #tpu.memory_space<vmem_shared>> -> memref<1x16000xf32, #tpu.memory_space<vmem_shared>>
    %dma_wait3A_85 = tpu.memref_squeeze %dma_wait3A_84 : memref<1x16000xf32, #tpu.memory_space<vmem_shared>> -> memref<16000xf32, #tpu.memory_space<vmem_shared>>
    tpu.wait_dma2 semaphore(%arg20 : memref<!tpu.dma_semaphore, #tpu.memory_space<semaphore_mem>>) src(%dma_wait3A_85 : memref<16000xf32, #tpu.memory_space<vmem_shared>>) dst(%dma_wait3A_82 : memref<16000xf32, #tpu.memory_space<vmem>>)
    %scan3A_86 = arith.constant 0 : i32
    %scan3A_87 = arith.constant 0 : i32
    %scan3A_88 = arith.constant 16 : i32
    %scan3A_89 = arith.addi %scan3A_87, %scan3A_88 : i32
    %scan3A_90 = arith.constant 1 : i32
    scf.for %scan3A_96 = %scan3A_87 to %scan3A_89 step %scan3A_90  : i32 {
      %mul3A_97 = arith.constant 1024 : i32
      %mul3A_98 = arith.muli %scan3A_96, %mul3A_97 : i32
      %add3A_99 = vector.broadcast %mul3A_98 : i32 to vector<16xi32>
      %add3A_100 = arith.addi %add3A_99, %mul3A_1 : vector<16xi32>
      %broadcast_in_dim3A = arith.constant 0.000000e+00 : f32
      %broadcast_in_dim3A_101 = vector.broadcast %broadcast_in_dim3A : f32 to vector<16xf32>
      %scan3A_102 = arith.constant 0 : i32
      %scan3A_103 = arith.constant 4 : i32
      %scan3A_104 = arith.addi %scan3A_102, %scan3A_103 : i32
      %scan3A_105 = arith.constant 1 : i32
      %scan3A_106:4 = scf.for %scan3A_114 = %scan3A_102 to %scan3A_104 step %scan3A_105 iter_args(%scan3A_115 = %broadcast_in_dim3A_101, %scan3A_116 = %broadcast_in_dim3A_101, %scan3A_117 = %broadcast_in_dim3A_101, %scan3A_118 = %broadcast_in_dim3A_101) -> (vector<16xf32>, vector<16xf32>, vector<16xf32>, vector<16xf32>)  : i32 {
        %mul3A_119 = arith.constant 16 : i32
        %mul3A_120 = arith.muli %scan3A_114, %mul3A_119 : i32
        %add3A_121 = arith.constant 0 : i32
        %add3A_122 = arith.addi %mul3A_120, %add3A_121 : i32
        %add3A_123 = vector.broadcast %add3A_122 : i32 to vector<16xi32>
        %add3A_124 = arith.addi %iota3A, %add3A_123 : vector<16xi32>
        %and3A = arith.constant 63 : i32
        %and3A_125 = vector.broadcast %and3A : i32 to vector<16xi32>
        %and3A_126 = arith.andi %add3A_124, %and3A_125 : vector<16xi32>
        %add3A_127 = arith.addi %add3A_100, %and3A_126 : vector<16xi32>
        %add3A_128 = arith.constant 0 : i32
        %add3A_129 = arith.addi %mul3A_120, %add3A_128 : i32
        %add3A_130 = arith.constant 1 : i32
        %add3A_131 = arith.addi %add3A_129, %add3A_130 : i32
        %add3A_132 = vector.broadcast %add3A_131 : i32 to vector<16xi32>
        %add3A_133 = arith.addi %iota3A, %add3A_132 : vector<16xi32>
        %and3A_134 = arith.constant 63 : i32
        %and3A_135 = vector.broadcast %and3A_134 : i32 to vector<16xi32>
        %and3A_136 = arith.andi %add3A_133, %and3A_135 : vector<16xi32>
        %add3A_137 = arith.addi %add3A_100, %and3A_136 : vector<16xi32>
        %add3A_138 = arith.constant 0 : i32
        %add3A_139 = arith.addi %mul3A_120, %add3A_138 : i32
        %add3A_140 = arith.constant 2 : i32
        %add3A_141 = arith.addi %add3A_139, %add3A_140 : i32
        %add3A_142 = vector.broadcast %add3A_141 : i32 to vector<16xi32>
        %add3A_143 = arith.addi %iota3A, %add3A_142 : vector<16xi32>
        %and3A_144 = arith.constant 63 : i32
        %and3A_145 = vector.broadcast %and3A_144 : i32 to vector<16xi32>
        %and3A_146 = arith.andi %add3A_143, %and3A_145 : vector<16xi32>
        %add3A_147 = arith.addi %add3A_100, %and3A_146 : vector<16xi32>
        %add3A_148 = arith.constant 0 : i32
        %add3A_149 = arith.addi %mul3A_120, %add3A_148 : i32
        %add3A_150 = arith.constant 3 : i32
        %add3A_151 = arith.addi %add3A_149, %add3A_150 : i32
        %add3A_152 = vector.broadcast %add3A_151 : i32 to vector<16xi32>
        %add3A_153 = arith.addi %iota3A, %add3A_152 : vector<16xi32>
        %and3A_154 = arith.constant 63 : i32
        %and3A_155 = vector.broadcast %and3A_154 : i32 to vector<16xi32>
        %and3A_156 = arith.andi %add3A_153, %and3A_155 : vector<16xi32>
        %add3A_157 = arith.addi %add3A_100, %and3A_156 : vector<16xi32>
        %gather3A = tpu.vector_load_idx %arg8[%add3A_127] : memref<16384xf32, #tpu.memory_space<vmem>>[vector<16xi32>], vector<16xf32>,
        %gather3A_158 = tpu.vector_load_idx %arg10[%add3A_127] : memref<16384xf32, #tpu.memory_space<vmem>>[vector<16xi32>], vector<16xf32>,
        %mul3A_159 = arith.mulf %gather3A, %gather3A_158 : vector<16xf32>
        %add3A_160 = arith.addf %scan3A_115, %mul3A_159 : vector<16xf32>
        %gather3A_161 = tpu.vector_load_idx %arg8[%add3A_137] : memref<16384xf32, #tpu.memory_space<vmem>>[vector<16xi32>], vector<16xf32>,
        %gather3A_162 = tpu.vector_load_idx %arg10[%add3A_137] : memref<16384xf32, #tpu.memory_space<vmem>>[vector<16xi32>], vector<16xf32>,
        %mul3A_163 = arith.mulf %gather3A_161, %gather3A_162 : vector<16xf32>
        %add3A_164 = arith.addf %scan3A_116, %mul3A_163 : vector<16xf32>
        %gather3A_165 = tpu.vector_load_idx %arg8[%add3A_147] : memref<16384xf32, #tpu.memory_space<vmem>>[vector<16xi32>], vector<16xf32>,
        %gather3A_166 = tpu.vector_load_idx %arg10[%add3A_147] : memref<16384xf32, #tpu.memory_space<vmem>>[vector<16xi32>], vector<16xf32>,
        %mul3A_167 = arith.mulf %gather3A_165, %gather3A_166 : vector<16xf32>
        %add3A_168 = arith.addf %scan3A_117, %mul3A_167 : vector<16xf32>
        %gather3A_169 = tpu.vector_load_idx %arg8[%add3A_157] : memref<16384xf32, #tpu.memory_space<vmem>>[vector<16xi32>], vector<16xf32>,
        %gather3A_170 = tpu.vector_load_idx %arg10[%add3A_157] : memref<16384xf32, #tpu.memory_space<vmem>>[vector<16xi32>], vector<16xf32>,
        %mul3A_171 = arith.mulf %gather3A_169, %gather3A_170 : vector<16xf32>
        %add3A_172 = arith.addf %scan3A_118, %mul3A_171 : vector<16xf32>
        %add3A_173 = arith.constant 4 : i32
        %add3A_174 = arith.addi %mul3A_120, %add3A_173 : i32
        %add3A_175 = vector.broadcast %add3A_174 : i32 to vector<16xi32>
        %add3A_176 = arith.addi %iota3A, %add3A_175 : vector<16xi32>
        %and3A_177 = arith.constant 63 : i32
        %and3A_178 = vector.broadcast %and3A_177 : i32 to vector<16xi32>
        %and3A_179 = arith.andi %add3A_176, %and3A_178 : vector<16xi32>
        %add3A_180 = arith.addi %add3A_100, %and3A_179 : vector<16xi32>
        %add3A_181 = arith.constant 4 : i32
        %add3A_182 = arith.addi %mul3A_120, %add3A_181 : i32
        %add3A_183 = arith.constant 1 : i32
        %add3A_184 = arith.addi %add3A_182, %add3A_183 : i32
        %add3A_185 = vector.broadcast %add3A_184 : i32 to vector<16xi32>
        %add3A_186 = arith.addi %iota3A, %add3A_185 : vector<16xi32>
        %and3A_187 = arith.constant 63 : i32
        %and3A_188 = vector.broadcast %and3A_187 : i32 to vector<16xi32>
        %and3A_189 = arith.andi %add3A_186, %and3A_188 : vector<16xi32>
        %add3A_190 = arith.addi %add3A_100, %and3A_189 : vector<16xi32>
        %add3A_191 = arith.constant 4 : i32
        %add3A_192 = arith.addi %mul3A_120, %add3A_191 : i32
        %add3A_193 = arith.constant 2 : i32
        %add3A_194 = arith.addi %add3A_192, %add3A_193 : i32
        %add3A_195 = vector.broadcast %add3A_194 : i32 to vector<16xi32>
        %add3A_196 = arith.addi %iota3A, %add3A_195 : vector<16xi32>
        %and3A_197 = arith.constant 63 : i32
        %and3A_198 = vector.broadcast %and3A_197 : i32 to vector<16xi32>
        %and3A_199 = arith.andi %add3A_196, %and3A_198 : vector<16xi32>
        %add3A_200 = arith.addi %add3A_100, %and3A_199 : vector<16xi32>
        %add3A_201 = arith.constant 4 : i32
        %add3A_202 = arith.addi %mul3A_120, %add3A_201 : i32
        %add3A_203 = arith.constant 3 : i32
        %add3A_204 = arith.addi %add3A_202, %add3A_203 : i32
        %add3A_205 = vector.broadcast %add3A_204 : i32 to vector<16xi32>
        %add3A_206 = arith.addi %iota3A, %add3A_205 : vector<16xi32>
        %and3A_207 = arith.constant 63 : i32
        %and3A_208 = vector.broadcast %and3A_207 : i32 to vector<16xi32>
        %and3A_209 = arith.andi %add3A_206, %and3A_208 : vector<16xi32>
        %add3A_210 = arith.addi %add3A_100, %and3A_209 : vector<16xi32>
        %gather3A_211 = tpu.vector_load_idx %arg8[%add3A_180] : memref<16384xf32, #tpu.memory_space<vmem>>[vector<16xi32>], vector<16xf32>,
        %gather3A_212 = tpu.vector_load_idx %arg10[%add3A_180] : memref<16384xf32, #tpu.memory_space<vmem>>[vector<16xi32>], vector<16xf32>,
        %mul3A_213 = arith.mulf %gather3A_211, %gather3A_212 : vector<16xf32>
        %add3A_214 = arith.addf %add3A_160, %mul3A_213 : vector<16xf32>
        %gather3A_215 = tpu.vector_load_idx %arg8[%add3A_190] : memref<16384xf32, #tpu.memory_space<vmem>>[vector<16xi32>], vector<16xf32>,
        %gather3A_216 = tpu.vector_load_idx %arg10[%add3A_190] : memref<16384xf32, #tpu.memory_space<vmem>>[vector<16xi32>], vector<16xf32>,
        %mul3A_217 = arith.mulf %gather3A_215, %gather3A_216 : vector<16xf32>
        %add3A_218 = arith.addf %add3A_164, %mul3A_217 : vector<16xf32>
        %gather3A_219 = tpu.vector_load_idx %arg8[%add3A_200] : memref<16384xf32, #tpu.memory_space<vmem>>[vector<16xi32>], vector<16xf32>,
        %gather3A_220 = tpu.vector_load_idx %arg10[%add3A_200] : memref<16384xf32, #tpu.memory_space<vmem>>[vector<16xi32>], vector<16xf32>,
        %mul3A_221 = arith.mulf %gather3A_219, %gather3A_220 : vector<16xf32>
        %add3A_222 = arith.addf %add3A_168, %mul3A_221 : vector<16xf32>
        %gather3A_223 = tpu.vector_load_idx %arg8[%add3A_210] : memref<16384xf32, #tpu.memory_space<vmem>>[vector<16xi32>], vector<16xf32>,
        %gather3A_224 = tpu.vector_load_idx %arg10[%add3A_210] : memref<16384xf32, #tpu.memory_space<vmem>>[vector<16xi32>], vector<16xf32>,
        %mul3A_225 = arith.mulf %gather3A_223, %gather3A_224 : vector<16xf32>
        %add3A_226 = arith.addf %add3A_172, %mul3A_225 : vector<16xf32>
        %add3A_227 = arith.constant 8 : i32
        %add3A_228 = arith.addi %mul3A_120, %add3A_227 : i32
        %add3A_229 = vector.broadcast %add3A_228 : i32 to vector<16xi32>
        %add3A_230 = arith.addi %iota3A, %add3A_229 : vector<16xi32>
        %and3A_231 = arith.constant 63 : i32
        %and3A_232 = vector.broadcast %and3A_231 : i32 to vector<16xi32>
        %and3A_233 = arith.andi %add3A_230, %and3A_232 : vector<16xi32>
        %add3A_234 = arith.addi %add3A_100, %and3A_233 : vector<16xi32>
        %add3A_235 = arith.constant 8 : i32
        %add3A_236 = arith.addi %mul3A_120, %add3A_235 : i32
        %add3A_237 = arith.constant 1 : i32
        %add3A_238 = arith.addi %add3A_236, %add3A_237 : i32
        %add3A_239 = vector.broadcast %add3A_238 : i32 to vector<16xi32>
        %add3A_240 = arith.addi %iota3A, %add3A_239 : vector<16xi32>
        %and3A_241 = arith.constant 63 : i32
        %and3A_242 = vector.broadcast %and3A_241 : i32 to vector<16xi32>
        %and3A_243 = arith.andi %add3A_240, %and3A_242 : vector<16xi32>
        %add3A_244 = arith.addi %add3A_100, %and3A_243 : vector<16xi32>
        %add3A_245 = arith.constant 8 : i32
        %add3A_246 = arith.addi %mul3A_120, %add3A_245 : i32
        %add3A_247 = arith.constant 2 : i32
        %add3A_248 = arith.addi %add3A_246, %add3A_247 : i32
        %add3A_249 = vector.broadcast %add3A_248 : i32 to vector<16xi32>
        %add3A_250 = arith.addi %iota3A, %add3A_249 : vector<16xi32>
        %and3A_251 = arith.constant 63 : i32
        %and3A_252 = vector.broadcast %and3A_251 : i32 to vector<16xi32>
        %and3A_253 = arith.andi %add3A_250, %and3A_252 : vector<16xi32>
        %add3A_254 = arith.addi %add3A_100, %and3A_253 : vector<16xi32>
        %add3A_255 = arith.constant 8 : i32
        %add3A_256 = arith.addi %mul3A_120, %add3A_255 : i32
        %add3A_257 = arith.constant 3 : i32
        %add3A_258 = arith.addi %add3A_256, %add3A_257 : i32
        %add3A_259 = vector.broadcast %add3A_258 : i32 to vector<16xi32>
        %add3A_260 = arith.addi %iota3A, %add3A_259 : vector<16xi32>
        %and3A_261 = arith.constant 63 : i32
        %and3A_262 = vector.broadcast %and3A_261 : i32 to vector<16xi32>
        %and3A_263 = arith.andi %add3A_260, %and3A_262 : vector<16xi32>
        %add3A_264 = arith.addi %add3A_100, %and3A_263 : vector<16xi32>
        %gather3A_265 = tpu.vector_load_idx %arg8[%add3A_234] : memref<16384xf32, #tpu.memory_space<vmem>>[vector<16xi32>], vector<16xf32>,
        %gather3A_266 = tpu.vector_load_idx %arg10[%add3A_234] : memref<16384xf32, #tpu.memory_space<vmem>>[vector<16xi32>], vector<16xf32>,
        %mul3A_267 = arith.mulf %gather3A_265, %gather3A_266 : vector<16xf32>
        %add3A_268 = arith.addf %add3A_214, %mul3A_267 : vector<16xf32>
        %gather3A_269 = tpu.vector_load_idx %arg8[%add3A_244] : memref<16384xf32, #tpu.memory_space<vmem>>[vector<16xi32>], vector<16xf32>,
        %gather3A_270 = tpu.vector_load_idx %arg10[%add3A_244] : memref<16384xf32, #tpu.memory_space<vmem>>[vector<16xi32>], vector<16xf32>,
        %mul3A_271 = arith.mulf %gather3A_269, %gather3A_270 : vector<16xf32>
        %add3A_272 = arith.addf %add3A_218, %mul3A_271 : vector<16xf32>
        %gather3A_273 = tpu.vector_load_idx %arg8[%add3A_254] : memref<16384xf32, #tpu.memory_space<vmem>>[vector<16xi32>], vector<16xf32>,
        %gather3A_274 = tpu.vector_load_idx %arg10[%add3A_254] : memref<16384xf32, #tpu.memory_space<vmem>>[vector<16xi32>], vector<16xf32>,
        %mul3A_275 = arith.mulf %gather3A_273, %gather3A_274 : vector<16xf32>
        %add3A_276 = arith.addf %add3A_222, %mul3A_275 : vector<16xf32>
        %gather3A_277 = tpu.vector_load_idx %arg8[%add3A_264] : memref<16384xf32, #tpu.memory_space<vmem>>[vector<16xi32>], vector<16xf32>,
        %gather3A_278 = tpu.vector_load_idx %arg10[%add3A_264] : memref<16384xf32, #tpu.memory_space<vmem>>[vector<16xi32>], vector<16xf32>,
        %mul3A_279 = arith.mulf %gather3A_277, %gather3A_278 : vector<16xf32>
        %add3A_280 = arith.addf %add3A_226, %mul3A_279 : vector<16xf32>
        %add3A_281 = arith.constant 12 : i32
        %add3A_282 = arith.addi %mul3A_120, %add3A_281 : i32
        %add3A_283 = vector.broadcast %add3A_282 : i32 to vector<16xi32>
        %add3A_284 = arith.addi %iota3A, %add3A_283 : vector<16xi32>
        %and3A_285 = arith.constant 63 : i32
        %and3A_286 = vector.broadcast %and3A_285 : i32 to vector<16xi32>
        %and3A_287 = arith.andi %add3A_284, %and3A_286 : vector<16xi32>
        %add3A_288 = arith.addi %add3A_100, %and3A_287 : vector<16xi32>
        %add3A_289 = arith.constant 12 : i32
        %add3A_290 = arith.addi %mul3A_120, %add3A_289 : i32
        %add3A_291 = arith.constant 1 : i32
        %add3A_292 = arith.addi %add3A_290, %add3A_291 : i32
        %add3A_293 = vector.broadcast %add3A_292 : i32 to vector<16xi32>
        %add3A_294 = arith.addi %iota3A, %add3A_293 : vector<16xi32>
        %and3A_295 = arith.constant 63 : i32
        %and3A_296 = vector.broadcast %and3A_295 : i32 to vector<16xi32>
        %and3A_297 = arith.andi %add3A_294, %and3A_296 : vector<16xi32>
        %add3A_298 = arith.addi %add3A_100, %and3A_297 : vector<16xi32>
        %add3A_299 = arith.constant 12 : i32
        %add3A_300 = arith.addi %mul3A_120, %add3A_299 : i32
        %add3A_301 = arith.constant 2 : i32
        %add3A_302 = arith.addi %add3A_300, %add3A_301 : i32
        %add3A_303 = vector.broadcast %add3A_302 : i32 to vector<16xi32>
        %add3A_304 = arith.addi %iota3A, %add3A_303 : vector<16xi32>
        %and3A_305 = arith.constant 63 : i32
        %and3A_306 = vector.broadcast %and3A_305 : i32 to vector<16xi32>
        %and3A_307 = arith.andi %add3A_304, %and3A_306 : vector<16xi32>
        %add3A_308 = arith.addi %add3A_100, %and3A_307 : vector<16xi32>
        %add3A_309 = arith.constant 12 : i32
        %add3A_310 = arith.addi %mul3A_120, %add3A_309 : i32
        %add3A_311 = arith.constant 3 : i32
        %add3A_312 = arith.addi %add3A_310, %add3A_311 : i32
        %add3A_313 = vector.broadcast %add3A_312 : i32 to vector<16xi32>
        %add3A_314 = arith.addi %iota3A, %add3A_313 : vector<16xi32>
        %and3A_315 = arith.constant 63 : i32
        %and3A_316 = vector.broadcast %and3A_315 : i32 to vector<16xi32>
        %and3A_317 = arith.andi %add3A_314, %and3A_316 : vector<16xi32>
        %add3A_318 = arith.addi %add3A_100, %and3A_317 : vector<16xi32>
        %gather3A_319 = tpu.vector_load_idx %arg8[%add3A_288] : memref<16384xf32, #tpu.memory_space<vmem>>[vector<16xi32>], vector<16xf32>,
        %gather3A_320 = tpu.vector_load_idx %arg10[%add3A_288] : memref<16384xf32, #tpu.memory_space<vmem>>[vector<16xi32>], vector<16xf32>,
        %mul3A_321 = arith.mulf %gather3A_319, %gather3A_320 : vector<16xf32>
        %add3A_322 = arith.addf %add3A_268, %mul3A_321 : vector<16xf32>
        %gather3A_323 = tpu.vector_load_idx %arg8[%add3A_298] : memref<16384xf32, #tpu.memory_space<vmem>>[vector<16xi32>], vector<16xf32>,
        %gather3A_324 = tpu.vector_load_idx %arg10[%add3A_298] : memref<16384xf32, #tpu.memory_space<vmem>>[vector<16xi32>], vector<16xf32>,
        %mul3A_325 = arith.mulf %gather3A_323, %gather3A_324 : vector<16xf32>
        %add3A_326 = arith.addf %add3A_272, %mul3A_325 : vector<16xf32>
        %gather3A_327 = tpu.vector_load_idx %arg8[%add3A_308] : memref<16384xf32, #tpu.memory_space<vmem>>[vector<16xi32>], vector<16xf32>,
        %gather3A_328 = tpu.vector_load_idx %arg10[%add3A_308] : memref<16384xf32, #tpu.memory_space<vmem>>[vector<16xi32>], vector<16xf32>,
        %mul3A_329 = arith.mulf %gather3A_327, %gather3A_328 : vector<16xf32>
        %add3A_330 = arith.addf %add3A_276, %mul3A_329 : vector<16xf32>
        %gather3A_331 = tpu.vector_load_idx %arg8[%add3A_318] : memref<16384xf32, #tpu.memory_space<vmem>>[vector<16xi32>], vector<16xf32>,
        %gather3A_332 = tpu.vector_load_idx %arg10[%add3A_318] : memref<16384xf32, #tpu.memory_space<vmem>>[vector<16xi32>], vector<16xf32>,
        %mul3A_333 = arith.mulf %gather3A_331, %gather3A_332 : vector<16xf32>
        %add3A_334 = arith.addf %add3A_280, %mul3A_333 : vector<16xf32>
        scf.yield %add3A_322, %add3A_326, %add3A_330, %add3A_334 : vector<16xf32>, vector<16xf32>, vector<16xf32>, vector<16xf32>
      }
      %scan3A_107 = arith.constant 4 : i32
      %add3A_108 = arith.addf %scan3A_106#0, %scan3A_106#1 : vector<16xf32>
      %add3A_109 = arith.addf %scan3A_106#2, %scan3A_106#3 : vector<16xf32>
      %add3A_110 = arith.addf %add3A_108, %add3A_109 : vector<16xf32>
      %mul3A_111 = arith.constant 16 : i32
      %mul3A_112 = arith.muli %scan3A_96, %mul3A_111 : i32
      %swap3A = arith.index_cast %mul3A_112 : i32 to index
      %swap3A_113 = tpu.vector_load %arg12[%swap3A] {strides = array<i32>} : memref<256xf32, #tpu.memory_space<vmem>>, vector<16xf32>,
      tpu.vector_store %arg12[%swap3A], %add3A_110 {strides = array<i32>} : memref<256xf32, #tpu.memory_space<vmem>>, vector<16xf32>,
    }
    %scan3A_91 = arith.constant 16 : i32
    %mul3A_92 = arith.constant 125 : i32
    %mul3A_93 = arith.muli %arg0, %mul3A_92 : i32
    %add3A_94 = arith.constant 124 : i32
    %add3A_95 = arith.addi %mul3A_93, %add3A_94 : i32
    "tpu.region"() ({
      %run_scoped3A = tpu.sem_alloc : memref<!tpu.dma_semaphore, #tpu.memory_space<semaphore_mem>>
      %dma_start3A_96 = arith.constant 0 : i32
      %dma_start3A_97 = tpu.memref_slice %arg3[%add3A_95, %arg1, %dma_start3A_96] : memref<250x16x256xf32, #tpu.memory_space<hbm>> -> memref<1x1x256xf32, #tpu.memory_space<hbm>>
      %dma_start3A_98 = tpu.memref_squeeze %dma_start3A_97 : memref<1x1x256xf32, #tpu.memory_space<hbm>> -> memref<256xf32, #tpu.memory_space<hbm>>
      %dma_start3A_99 = arith.constant 0 : i32
      %dma_start3A_100 = tpu.memref_slice %arg3[%add3A_95, %arg1, %dma_start3A_99] : memref<250x16x256xf32, #tpu.memory_space<hbm>> -> memref<1x1x256xf32, #tpu.memory_space<hbm>>
      %dma_start3A_101 = tpu.memref_squeeze %dma_start3A_100 : memref<1x1x256xf32, #tpu.memory_space<hbm>> -> memref<256xf32, #tpu.memory_space<hbm>>
      tpu.enqueue_dma source(%arg12 : memref<256xf32, #tpu.memory_space<vmem>>) target(%dma_start3A_101 : memref<256xf32, #tpu.memory_space<hbm>>) target_semaphore(%run_scoped3A : memref<!tpu.dma_semaphore, #tpu.memory_space<semaphore_mem>>)
      %dma_wait3A_102 = arith.constant 0 : i32
      %dma_wait3A_103 = tpu.memref_slice %arg3[%add3A_95, %arg1, %dma_wait3A_102] : memref<250x16x256xf32, #tpu.memory_space<hbm>> -> memref<1x1x256xf32, #tpu.memory_space<hbm>>
      %dma_wait3A_104 = tpu.memref_squeeze %dma_wait3A_103 : memref<1x1x256xf32, #tpu.memory_space<hbm>> -> memref<256xf32, #tpu.memory_space<hbm>>
      %dma_wait3A_105 = arith.constant 0 : i32
      %dma_wait3A_106 = tpu.memref_slice %arg3[%add3A_95, %arg1, %dma_wait3A_105] : memref<250x16x256xf32, #tpu.memory_space<hbm>> -> memref<1x1x256xf32, #tpu.memory_space<hbm>>
      %dma_wait3A_107 = tpu.memref_squeeze %dma_wait3A_106 : memref<1x1x256xf32, #tpu.memory_space<hbm>> -> memref<256xf32, #tpu.memory_space<hbm>>
      tpu.wait_dma2 semaphore(%run_scoped3A : memref<!tpu.dma_semaphore, #tpu.memory_space<semaphore_mem>>) src(%arg12 : memref<256xf32, #tpu.memory_space<vmem>>) dst(%dma_wait3A_107 : memref<256xf32, #tpu.memory_space<hbm>>)
      tpu.yield
    }) : () -> ()
    return
  }
}

</mosaic_0001>

<sc_bundles>
// kernel: kernel.3.cloned.1.call-start
scs
__scs_entry_jumppad:
0x0: {  	(pc) =	sbr.rel $0x88, $3  }
0x1: {  	(tag) =	ssettag $0x0;
	lr =	simm.s32 $0x1  }
0x2: {  	[smem:$0x3FA0] =	sst lr;
	_ =	strace $0xD0000000  }
0x3: {  	_ = 	snop  }
0x4: {  	_ = 	snop  }
0x5: {  	_ = 	snop  }
0x6: {  	_ = 	snop  }
0x7: {  	_ = 	snop  }
__scs_overlays_trampoline_lowered:
0x8: {  	[smem:$0x3FAF] =	sst s0  }
0x9: {  	[smem:$0x3FB0] =	sst s1  }
0xa: {  	[smem:$0x3FB1] =	sst s2  }
0xb: {  	[smem:$0x3FB2] =	sst s3  }
0xc: {  	[smem:$0x3FB3] =	sst s4  }
0xd: {  	[smem:$0x3FB4] =	sst s5  }
0xe: {  	[smem:$0x3FB5] =	sst s6  }
0xf: {  	[smem:$0x3FB6] =	sst s7  }
0x10: {  	[smem:$0x3FB7] =	sst s8  }
0x11: {  	[smem:$0x3FB8] =	sst s9;
	s0 =	simm.s32 @!p0 $0x0  }
0x12: {  	s1 =	sld [smem:$0x3F9E];
	s0 =	simm.s32 @p0 $0x1  }
0x13: {  	[smem:$0x3FB9] =	sst s0;
	s0 =	simm.s32 @!p1 $0x0  }
0x14: {  	s2 =	sld [smem:$0x3F9D];
	s0 =	simm.s32 @p1 $0x1  }
0x15: {  	[smem:$0x3FBA] =	sst s0;
	s0 =	simm.s32 @!p2 $0x0  }
0x16: {  	s3 =	sld [smem:$0x3FDB];
	s0 =	simm.s32 @p2 $0x1  }
0x17: {  	s4 =	simm.s32 $0x1BF5;
	[smem:$0x3FBC] =	sst s0  }
0x18: {  	s0 =	sld [smem:$0x3F9F];
	_ =	swait.ge [sflag:s4], $0x0  }
0x19: {  	s7 =	sld [smem:$0x3FA0]  }
0x1a: {  	s8 =	sadd.s32 $0xFFFFE003, lr  }
0x1b: {  	s9 =	sadd.s32 $0xFFFFFEF7, lr;
	s5 =	simm.s32 $0xFFFFFFFF;
	p2 =	slt.u32 s8, $0xFFFFF086  }
0x1c: {  	p1 =	slt.u32 s9, $0xF7A;
	s5 =	simm.s32 @!p2 $0x0  }
0x1d: {  	s5 =	simm.s32 @p1 $0x1;
	p0 =	seq.s32 s7, s2  }
0x1e: {  	s7 =	smul.u32 @!p0 $0xF7A, s2;
	p2 =	seq.s32 @!p0 s5, $0x0  }
0x1f: {  	s9 =	smul.u32 $0xF7A, s1;
	s8 =	simm.s32 @!p0 $0x1BF5;
	p2 =	por !p2, p0  }
0x20: {  	[sflag:s8] =	ssyncset.s32 @!p0 $0xFFFFF086;
	s6 =	sadd.s32 @!p0 s3, s7;
	s7 =	simm.s32 @!p0 $0x108  }
0x21: {  	s3 =	sadd.s32 s3, s9;
	s6 =	sadd.s32 @!p0 $0x88, s6;
	s7 =	simm.s32 @p2 $0x1082  }
0x22: {  	[simem:s7], [sflag:s8] =	dma.local @!p0 [hbm:s6], $0xF7A  }
0x23: {  	s9 =	sor.u32 $0xD0000000, s2;
	s6 =	simm.s32 $0x108;
	_ =	swait.ge @!p0 [sflag:s8], $0x0  }
0x24: {  	s3 =	sadd.s32 $0x88, s3;
	s6 =	simm.s32 @!p1 $0x1082;
	[sflag:s4] =	ssyncset.s32 $0xFFFFF086  }
0x25: {  	[simem:s6], [sflag:s4] =	dma.local [hbm:s3], $0xF7A  }
0x26: {  	[smem:$0x3FA0] =	sst s1;
	(tag) =	ssettag s2;
	_ =	strace s9  }
0x27: {  	s1 =	sld [smem:$0x3FB0]  }
0x28: {  	s2 =	sld [smem:$0x3FB1]  }
0x29: {  	s4 =	sld [smem:$0x3FB3]  }
0x2a: {  	p0 =	seq.s32 s5, $0x0;
	s5 =	sld [smem:$0x3FB4]  }
0x2b: {  	s6 =	sld [smem:$0x3FB5]  }
0x2c: {  	s7 =	sld [smem:$0x3FB6]  }
0x2d: {  	s3 =	simm.s32 $0x108;
	s8 =	sld [smem:$0x3FB7]  }
0x2e: {  	s3 =	simm.s32 @!p0 $0x1082;
	s9 =	sld [smem:$0x3FB8]  }
0x2f: {  	lr =	sadd.s32 s0, s3;
	s0 =	sld [smem:$0x3FAF]  }
0x30: {  	s3 =	sld [smem:$0x3FB2]  }
0x31: {  	[smem:$0x3FBB] =	sst s10  }
0x32: {  	s10 =	sld [smem:$0x3FB9];
	_ =	sdelay $0x3  }
0x33: {  	p0 =	seq.s32 s10, $0x1;
	s10 =	sld [smem:$0x3FBB];
	_ =	sdelay $0x3  }
0x34: {  	[smem:$0x3FBB] =	sst s10  }
0x35: {  	s10 =	sld [smem:$0x3FBA];
	_ =	sdelay $0x3  }
0x36: {  	p1 =	seq.s32 s10, $0x1;
	s10 =	sld [smem:$0x3FBB];
	_ =	sdelay $0x3  }
0x37: {  	[smem:$0x3FBB] =	sst s10  }
0x38: {  	s10 =	sld [smem:$0x3FBC]  }
0x39: {  	_ = 	snop;
	(pc) =	sbr.ind lr, $3  }
0x3a: {  	_ = 	snop  }
0x3b: {  	_ = 	snop  }
0x3c: {  	p2 =	seq.s32 s10, $0x1;
	s10 =	sld [smem:$0x3FBB]  }
0x3d: {  	_ =	shalt  }
0x3e: {  	_ =	shalt  }
0x3f: {  	_ =	shalt  }
0x40: {  	_ =	shalt  }
0x41: {  	_ =	shalt  }
0x42: {  	_ =	shalt  }
0x43: {  	_ =	shalt  }
0x44: {  	_ =	shalt  }
0x45: {  	_ =	shalt  }
0x46: {  	_ =	shalt  }
0x47: {  	_ =	shalt  }
0x48: {  	_ =	shalt  }
0x49: {  	_ =	shalt  }
0x4a: {  	_ =	shalt  }
0x4b: {  	_ =	shalt  }
0x4c: {  	_ =	shalt  }
0x4d: {  	_ =	shalt  }
0x4e: {  	_ =	shalt  }
0x4f: {  	_ =	shalt  }
0x50: {  	_ =	shalt  }
0x51: {  	_ =	shalt  }
0x52: {  	_ =	shalt  }
0x53: {  	_ =	shalt  }
0x54: {  	_ =	shalt  }
0x55: {  	_ =	shalt  }
0x56: {  	_ =	shalt  }
0x57: {  	_ =	shalt  }
0x58: {  	_ =	shalt  }
0x59: {  	_ =	shalt  }
0x5a: {  	_ =	shalt  }
0x5b: {  	_ =	shalt  }
0x5c: {  	_ =	shalt  }
0x5d: {  	_ =	shalt  }
0x5e: {  	_ =	shalt  }
0x5f: {  	_ =	shalt  }
0x60: {  	_ =	shalt  }
0x61: {  	_ =	shalt  }
0x62: {  	_ =	shalt  }
0x63: {  	_ =	shalt  }
0x64: {  	_ =	shalt  }
0x65: {  	_ =	shalt  }
0x66: {  	_ =	shalt  }
0x67: {  	_ =	shalt  }
0x68: {  	_ =	shalt  }
0x69: {  	_ =	shalt  }
0x6a: {  	_ =	shalt  }
0x6b: {  	_ =	shalt  }
0x6c: {  	_ =	shalt  }
0x6d: {  	_ =	shalt  }
0x6e: {  	_ =	shalt  }
0x6f: {  	_ =	shalt  }
0x70: {  	_ =	shalt  }
0x71: {  	_ =	shalt  }
0x72: {  	_ =	shalt  }
0x73: {  	_ =	shalt  }
0x74: {  	_ =	shalt  }
0x75: {  	_ =	shalt  }
0x76: {  	_ =	shalt  }
0x77: {  	_ =	shalt  }
0x78: {  	_ =	shalt  }
0x79: {  	_ =	shalt  }
0x7a: {  	_ =	shalt  }
0x7b: {  	_ =	shalt  }
0x7c: {  	_ =	shalt  }
0x7d: {  	_ =	shalt  }
0x7e: {  	_ =	shalt  }
0x7f: {  	_ =	shalt  }
0x80: {  	_ =	shalt  }
0x81: {  	_ =	shalt  }
0x82: {  	_ =	shalt  }
0x83: {  	_ =	shalt  }
0x84: {  	_ =	shalt  }
0x85: {  	_ =	shalt  }
0x86: {  	_ =	shalt  }
0x87: {  	_ =	shalt  }
.Lfunc_end0:
.L_simem_size_0:
called_computation_lowered:
.L_overlay_start_0:
0x88: {  	s2 =	sld [smem:$0x3FD9]  }
0x89: {  	s3 =	sld [smem:$0x3FFE];
	_ =	sdelay $0x1  }
0x8a: {  	s1 =	srdreg.scid  }
0x8b: {  	s0 =	sand.u32 $0x1, s1  }
0x8c: {  	s16 =	sshll.u32 s0, $0xA;
	s2 =	sadd.s32 s3, s2  }
0x8d: {  	s2 =	sadd.s32 s2, s16  }
0x8e: {  	[smem:$0x3FC7] =	sst s2  }
0x8f: {  	_ = 	snop  }
0x90: {  	(tm) =	ssettm $0x1  }
0x91: {  	s17 =	sld [smem:$0x3FFB];
	_ =	sdelay $0x3  }
0x92: {  	_ =	strace s17  }
0x93: {  	s2 =	sld [smem:$0x3FFC];
	_ =	sdelay $0x3  }
0x94: {  	_ =	strace s2  }
0x95: {  	s2 =	sld [smem:$0x3FFD];
	_ =	sdelay $0x3  }
0x96: {  	_ =	strace s2  }
0x97: {  	_ =	strace $0x8FFFFFFF  }
0x98: {  	s18 =	sld [smem:$0x3FDB];
	_ =	sdelay $0x1  }
0x99: {  	s19 =	simm.s32 $_scs_section_size  }
0x9a: {  	s4 =	simm.s32 $_size__tile_overlayer_lowered;
	s5 =	simm.s32 $_tile_overlayer_lowered  }
0x9b: {  	s22 =	simm.s32 $0x1BFF;
	s21 =	sshll.u32 s5, $0x1;
	s2 =	sadd.s32 s19, s18  }
0x9c: {  	s6 =	simm.s32 $0x0;
	s20 =	sshll.u32 s4, $0x1;
	s4 =	sadd.s32 s21, s2  }
0x9d: {  	[timem:s6], [sflag:s22] =	dma.local [hbm:s4], s20  }
0x9e: {  	_ =	swait.ge [sflag:s22], s20  }
0x9f: {  	s3 =	ssub.s32 $0x0, s20;
	[sflag:s22] =	ssyncset.done $0x0  }
0xa0: {  	[sflag:s22] =	ssyncadd.s32 s3;
	_ =	sdelay $0x1  }
0xa1: {  	s23 =	simm.s32 $0x1B8B  }
0xa2: {  	_ =	swait.ge [sflag:s23], $0x1  }
0xa3: {  	[sflag:s23] =	ssyncset.done $0x0  }
0xa4: {  	s25 =	simm.s32 $0x1B8E;
	s24 =	sld [smem:$0x3FFE];
	[sflag:s23] =	ssyncadd.s32 $0xFFFFFFFF  }
0xa5: {  	s26 =	simm.s32 $execute0_lowered;
	[smem:$0x3FD2] =	sst s25  }
0xa6: {  	s4 =	sshll.u32 s26, $0x1;
	_ =	strace $0x80000046;
	[dreg:$0x1] =	wrdreg $0xFFFFFFFF  }
0xa7: {  	s28 =	simm.s32 $_size_execute0_lowered;
	s2 =	sadd.s32 s2, s4;
	[dreg:$0x0] =	wrdreg $0x0  }
0xa8: {  	s4 =	sshll.u32 s28, $0x1;
	[dreg:$0x2] =	wrdreg s2  }
0xa9: {  	[dreg:$0x3] =	wrdreg s4  }
0xaa: {  	[dreg:$0x4] =	wrdreg $0xC0  }
0xab: {  	_ =	task [dreg:s6], $0x5FFFF  }
0xac: {  	[dreg:$0x1] =	wrdreg $0xFFFFFFFF  }
0xad: {  	[dreg:$0x0] =	wrdreg $0x60  }
0xae: {  	[dreg:$0x2] =	wrdreg s24  }
0xaf: {  	[dreg:$0x3] =	wrdreg $0x0  }
0xb0: {  	[dreg:$0x4] =	wrdreg $0x7D000  }
0xb1: {  	[dreg:$0x5] =	wrdreg $0x3E800  }
0xb2: {  	[dreg:$0x6] =	wrdreg $0xBB800  }
0xb3: {  	[dreg:$0x7] =	wrdreg $0x9  }
0xb4: {  	_ =	task.clear_ibuf [dreg:s6], $0x8FFFF;
	_ =	strace $0x90000046  }
0xb5: {  	s29 =	simm.s32 $0x9;
	_ =	strace $0x80000048  }
0xb6: {  	_ =	swait.ge [sflag:s29], $0x1  }
0xb7: {  	[sflag:s29] =	ssyncadd.s32 $0xFFFFFFFF  }
0xb8: {  	_ =	strace $0x90000048  }
0xb9: {  	_ =	sfence  }
0xba: {  	s30 =	sld [smem:$0x0];
	_ =	sdelay $0x2  }
0xbb: {  	s31 =	sshll.u32 s1, $0xD;
	s1 =	sshrl.u32 s1, $0x2  }
0xbc: {  	s3 =	sand.u32 $0x4000, s31;
	s1 =	sadd.s32 s1, s30  }
0xbd: {  	s0 =	sor.u32 s3, s0;
	s1 =	sshll.u32 s1, $0x11  }
0xbe: {  	s0 =	sor.u32 s1, s0  }
0xbf: {  	s0 =	sadd.s32 $0x8F2B, s0  }
0xc0: {  	[sflag:s0] =	ssyncadd.remote.s32 $0x1  }
0xc1: {  	_ =	sfence.sel $0xFFFF  }
0xc2: {  	[dreg:$0x0] =	wrdreg $0xFFFFFFFF;
	(pc) =	sbr.abs _section_cstart, $3  }
0xc3: {  	[dreg:$0x1] =	wrdreg $0xFFFFFFFF  }
0xc4: {  	_ =	task.clear_ibuf [dreg:s6], $0x2FFFF;
	_ =	strace $0x9FFFFFFF  }
0xc5: {  	(tm) =	ssettm $0x7FFFFFFF  }
tec
execute0_lowered:
.L_overlay_start_1:
0x0: {  	(tag) =	ssettag $0x1  }
0x1: {  	s0 =	rddreg [dreg:$0x0]  }
0x2: {  	s1 =	rddreg [dreg:$0x1]  }
0x3: {  	s2 =	rddreg [dreg:$0x2]  }
0x4: {  	s5 =	rddreg [dreg:$0x3]  }
0x5: {  	s6 =	rddreg [dreg:$0x4];
	s3 =	srdreg.scid  }
0x6: {  	s23 =	simm.s32 $0x0;
	s12 =	stileid.u32;
	s28 =	simm.s32 $0x1  }
0x7: {  	s29 =	simm.s32 $0x3;
	s30 =	simm.s32 $0xFA00;
	s31 =	simm.s32 $0x17A00  }
0x8: {  	s7 =	sand.u32 $0x1, s3;
	[smem:$0x7FF] =	sst s23;
	s8 =	smul.u32 $0x3E80, s12  }
0x9: {  	s3 =	sadd.s32 $0x1E84C00, s0;
	s15 =	sshll.u32 s12, $0x6;
	s4 =	smul.u32 $0x1E84800, s7  }
0xa: {  	s12 =	sshll.u32 s12, $0x8;
	_ =	strace $0x80000047;
	s16 =	smul.u32 $0x7D000, s7  }
0xb: {  	s9 =	ssub.s32 $0x2, s7;
	s14 =	sor.u32 $0x1C01, s15;
	s19 =	smul.u32 $0x7D, s7  }
0xc: {  	[dreg:$0x7] =	wrdreg s15;
	s7 =	simm.s32 $0x8;
	s10 =	sshrl.u32 s9, $0x1  }
0xd: {  	s26 =	sadd.s32 s8, s1;
	[dreg:$0x8] =	wrdreg s14;
	s2 =	sadd.s32 s8, s2  }
0xe: {  	v0 =	vimm.s32 $0xC3824100;
	s14 =	sadd.s32 s8, s6;
	s6 =	simm.s32 $0x6;
	s13 =	sadd.s32 s8, s4  }
0xf: {  	v0 =	vunpack.c.0.s8.s32 v0;
	s4 =	sadd.s32 $0x400, s0;
	s24 =	ssub.s32 s9, s10;
	s1 =	sor.u32 s12, s16  }
0x10: {  	[dreg:$0xc] =	wrdreg s19;
	s23 =	smov.u32 s26;
	s22 =	sshrl.u32 s26, $0x3  }
0x11: {  	vm0 =	vcmask $0xF00;
	v0 =	vand.u32 $0xFF, v0;
	s10 =	simm.s32 $0x2;
	s20 =	sadd.s32 $0x7D000, s13;
	[dreg:$0x12] =	wrdreg s22  }
0x12: {  	vm5 =	vcmask $0x1310;
	v0 =	vnsel vm0, $0x3C7, v0;
	s25 =	sshrl.u32 s13, $0x3;
	s21 =	sadd.s32 $0xBB800, s13;
	[dreg:$0xd] =	wrdreg s20  }
0x13: {  	vm6 =	vcmask $0x1714;
	v0 =	vsel vm5, $0x104, v0;
	s1 =	sadd.s32 $0x7C000, s1;
	s0 =	smax.u32 s24, $0x1;
	[dreg:$0xe] =	wrdreg s21  }
0x14: {  	vm7 =	vcmask $0x1B18;
	s24 =	sor.u32 $0x1C03, s15;
	s13 =	simm.s32 $0x4;
	v0 =	vsel vm6, $0x145, v0;
	[dreg:$0x11] =	wrdreg s0  }
0x15: {  	vm8 =	vcmask $0x1F1C;
	s9 =	sadd.s32 s3, s25;
	s1 =	sshrl.u32 s1, $0x3;
	[dreg:$0x13] =	wrdreg s24;
	v0 =	vsel vm7, $0x186, v0  }
0x16: {  	vm9 =	vcmask $0x2320;
	s24 =	smov.u32 s2;
	s25 =	sshrl.u32 s2, $0x3;
	[dreg:$0x6] =	wrdreg s9;
	v0 =	vsel vm8, $0x1C7, v0  }
0x17: {  	vm10 =	vcmask $0x2724;
	s0 =	simm.s32 $0x5;
	s11 =	sadd.s32 $0x7A1200, s9;
	[dreg:$0x14] =	wrdreg s25;
	v0 =	vsel vm9, $0x200, v0  }
0x18: {  	vm11 =	vcmask $0x2B28;
	s20 =	simm.s32 $0x1BA00;
	s17 =	sadd.s32 $0x7D00, s9;
	[dreg:$0x9] =	wrdreg s11;
	v0 =	vsel vm10, $0x241, v0  }
0x19: {  	vm12 =	vcmask $0x2F2C;
	s18 =	sadd.s32 $0x7A8F00, s9;
	s1 =	sadd.s32 s4, s1;
	[dreg:$0xa] =	wrdreg s17;
	v0 =	vsel vm11, $0x282, v0  }
0x1a: {  	vm13 =	vcmask $0x3330;
	s25 =	sor.u32 $0x1C02, s15;
	s15 =	simm.s32 $0x13A00;
	[dreg:$0xb] =	wrdreg s18;
	v0 =	vsel vm12, $0x2C3, v0  }
0x1b: {  	vm14 =	vcmask $0x3734;
	s11 =	sadd.s32 s8, s5;
	s5 =	sadd.s32 $0x1, s19;
	[dreg:$0x10] =	wrdreg s1;
	v1 =	vsel vm13, $0x304, v0  }
0x1c: {  	vm15 =	vcmask $0x3B38;
	s1 =	simm.s32 $0x7;
	[dreg:$0xf] =	wrdreg s5;
	s26 =	sshrl.u32 s11, $0x3;
	v0 =	vlaneseq.u32;
	v2 =	vsel vm14, $0x345, v1  }
0x1d: {  	s5 =	simm.s32 $0x0;
	[dreg:$0x15] =	wrdreg s26;
	s26 =	simm.s32 $0x9;
	v1 =	vmul.u32 $0x40, v0;
	v3 =	vmul.u32 $0x41, v0;
	v2 =	vsel vm15, $0x386, v2  }
.LBB2_1:
0x1e: {  	[dreg:$0x16] =	wrdreg s5  }
0x1f: {  	s2 =	rddreg [dreg:$0x6]  }
0x20: {  	s21 =	rddreg [dreg:$0x8]  }
0x21: {  	s8 =	rddreg [dreg:$0x12]  }
0x22: {  	[spmem:s8], [sflag:s21] =	dma.local [hbm:s2], $0x7D0  }
0x23: {  	s2 =	rddreg [dreg:$0x9]  }
0x24: {  	s5 =	rddreg [dreg:$0x13]  }
0x25: {  	s8 =	rddreg [dreg:$0x14]  }
0x26: {  	[spmem:s8], [sflag:s5] =	dma.local [hbm:s2], $0x7D0  }
0x27: {  	s2 =	rddreg [dreg:$0xa]  }
0x28: {  	s5 =	rddreg [dreg:$0x15]  }
0x29: {  	[spmem:s5], [sflag:s25] =	dma.local [hbm:s2], $0x7D0  }
0x2a: {  	s2 =	rddreg [dreg:$0x7]  }
0x2b: {  	s22 =	sshrl.u32 s14, $0x3;
	s5 =	rddreg [dreg:$0xb];
	s21 =	sor.u32 $0x1C04, s2  }
0x2c: {  	[spmem:s22], [sflag:s21] =	dma.local [hbm:s5], $0x7D0  }
0x2d: {  	_ =	swait.ge [sflag:s28], $0x7D0  }
0x2e: {  	[sflag:s28] =	ssyncset.done $0x0  }
0x2f: {  	[sflag:s28] =	ssyncadd.s32 $0xFFFFF830  }
0x30: {  	_ =	swait.ge [sflag:s29], $0x7D0  }
0x31: {  	[sflag:s29] =	ssyncset.done $0x0  }
0x32: {  	[sflag:s29] =	ssyncadd.s32 $0xFFFFF830  }
0x33: {  	[tilespmem:s30], [sflag:$0x5] =	stream.linear.gather [spmem:s23], $0x3E80, $0x38;
	[tilespmem:$0x1FC00] =	vst v63  }
0x34: {  	s2 =	simm.s32 $0x0  }
0x35: {  	[tilespmem:s31], [sflag:$0x7] =	stream.linear.gather [spmem:s24], $0x3E80, $0x38;
	[tilespmem:$0x1FC00] =	vst v63  }
.LBB2_2:
0x36: {  	_ =	swait.ge [sflag:s0], $0x3E80  }
0x37: {  	[sflag:s0] =	ssyncset.done $0x0  }
0x38: {  	[sflag:s0] =	ssyncadd.s32 $0xFFFFC180  }
0x39: {  	s16 =	smul.u32 $0x7D000, s2;
	_ =	swait.ge [sflag:s1], $0x3E80  }
0x3a: {  	s5 =	rddreg [dreg:$0xd]  }
0x3b: {  	s5 =	sadd.s32 s16, s5  }
0x3c: {  	[sflag:s1] =	ssyncset.done $0x0;
	s8 =	rddreg [dreg:$0x8];
	s5 =	sshrl.u32 s5, $0x3  }
0x3d: {  	s9 =	rddreg [dreg:$0x12];
	[sflag:s1] =	ssyncadd.s32 $0xFFFFC180;
	s5 =	sadd.s32 s3, s5  }
0x3e: {  	[spmem:s9], [sflag:s8] =	dma.local [hbm:s5], $0x7D0  }
0x3f: {  	s8 =	rddreg [dreg:$0x13]  }
0x40: {  	s5 =	sadd.s32 $0x7A1200, s5;
	s9 =	rddreg [dreg:$0x14]  }
0x41: {  	[spmem:s9], [sflag:s8] =	dma.local [hbm:s5], $0x7D0  }
0x42: {  	_ =	swait.ge [sflag:s10], $0x7D0  }
0x43: {  	[sflag:s10] =	ssyncset.done $0x0  }
0x44: {  	[sflag:s10] =	ssyncadd.s32 $0xFFFFF830  }
0x45: {  	_ =	swait.ge [sflag:s13], $0x7D0  }
0x46: {  	[sflag:s13] =	ssyncset.done $0x0  }
0x47: {  	[sflag:s13] =	ssyncadd.s32 $0xFFFFF830  }
0x48: {  	[tilespmem:s15], [sflag:$0x6] =	stream.linear.gather [spmem:s11], $0x3E80, $0x38;
	[tilespmem:$0x1FC00] =	vst v63  }
0x49: {  	s17 =	simm.s32 $0x0  }
0x4a: {  	[tilespmem:s20], [sflag:$0x8] =	stream.linear.gather [spmem:s14], $0x3E80, $0x38;
	[tilespmem:$0x1FC00] =	vst v63  }
.LBB2_3:
0x4b: {  	s18 =	sshll.u32 s17, $0xA;
	s5 =	simm.s32 $0x0  }
0x4c: {  	s8 =	simm.s32 $0xC;
	s5 =	sor.u32 s18, s5  }
0x4d: {  	v5 =	vadd.s32 s8, v0;
	v7 =	vor.u32 s5, v3  }
0x4e: {  	s22 =	simm.s32 $0x8;
	s9 =	simm.s32 $0xB;
	v4 =	vor.u32 s18, v1;
	v5 =	vand.u32 $0x3F, v5  }
0x4f: {  	v6 =	vadd.s32 s22, v0;
	v12 =	vadd.s32 s9, v0;
	v9 =	vor.u32 v4, v5  }
0x50: {  	s8 =	simm.s32 $0x4;
	v6 =	vand.u32 $0x38, v6;
	v12 =	vand.u32 $0x3F, v12  }
0x51: {  	v8 =	vadd.s32 s8, v0;
	v5 =	vor.u32 s18, v2;
	v18 =	vor.u32 v4, v12  }
0x52: {  	s19 =	simm.s32 $0xF;
	v8 =	vand.u32 $0x3F, v8;
	v11 =	vor.u32 v6, v5;
	v6 =	vld.idx.msk [tilespmem:v7+s30+$0x0], $0xffff  }
0x53: {  	v13 =	vor.u32 v4, v8;
	v8 =	vadd.s32 s19, v0;
	v7 =	vld.idx.msk [tilespmem:v7+s31+$0x0], $0xffff  }
0x54: {  	v10 =	vand.u32 $0x3F, v8;
	v8 =	vld.idx.msk [tilespmem:v9+s30+$0x0], $0xffff  }
0x55: {  	v15 =	vor.u32 v4, v10;
	v10 =	vld.idx.msk [tilespmem:v9+s31+$0x0], $0xffff  }
0x56: {  	s22 =	simm.s32 $0x7;
	v22 =	vld.idx.msk [tilespmem:v18+s30+$0x0], $0xffff  }
0x57: {  	v16 =	vadd.s32 s22, v0;
	v9 =	vld.idx.msk [tilespmem:v11+s30+$0x0], $0xffff  }
0x58: {  	s8 =	simm.s32 $0x3;
	v12 =	vld.idx.msk [tilespmem:v11+s31+$0x0], $0xffff;
	v11 =	vand.u32 $0x3F, v16  }
0x59: {  	v14 =	vld.idx.msk [tilespmem:v13+s30+$0x0], $0xffff;
	v16 =	vadd.s32 s8, v0;
	v11 =	vor.u32 v4, v11  }
0x5a: {  	s9 =	simm.s32 $0xE;
	v19 =	vld.idx.msk [tilespmem:v13+s31+$0x0], $0xffff;
	v13 =	vand.u32 $0x3F, v16  }
0x5b: {  	s22 =	simm.s32 $0xA;
	v16 =	vadd.s32 s9, v0;
	v17 =	vld.idx.msk [tilespmem:v15+s30+$0x0], $0xffff;
	v13 =	vor.u32 v4, v13  }
0x5c: {  	v21 =	vld.idx.msk [tilespmem:v15+s31+$0x0], $0xffff;
	v15 =	vadd.s32 s22, v0;
	v16 =	vand.u32 $0x3F, v16  }
0x5d: {  	v25 =	vld.idx.msk [tilespmem:v18+s31+$0x0], $0xffff;
	s8 =	simm.s32 $0x6;
	v15 =	vand.u32 $0x3F, v15;
	v20 =	vor.u32 v4, v16  }
0x5e: {  	v30 =	vor.u32 v4, v15;
	v15 =	vadd.s32 s8, v0;
	v24 =	vld.idx.msk [tilespmem:v11+s30+$0x0], $0xffff  }
0x5f: {  	s9 =	simm.s32 $0x2;
	v15 =	vand.u32 $0x3F, v15;
	v27 =	vld.idx.msk [tilespmem:v11+s31+$0x0], $0xffff  }
0x60: {  	s22 =	simm.s32 $0x1;
	v16 =	vadd.s32 s9, v0;
	v31 =	vor.u32 v4, v15;
	v26 =	vld.idx.msk [tilespmem:v13+s30+$0x0], $0xffff  }
0x61: {  	v18 =	vadd.s32 s22, v0;
	v16 =	vand.u32 $0x3F, v16;
	v28 =	vld.idx.msk [tilespmem:v13+s31+$0x0], $0xffff  }
0x62: {  	v32 =	vand.u32 $0x3F, v18;
	v18 =	vimm.f32 $0.0e+00;
	v29 =	vor.u32 v4, v16;
	v13 =	vld.idx.msk [tilespmem:v20+s30+$0x0], $0xffff  }
0x63: {  	s5 =	simm.s32 $0x1F;
	s8 =	simm.s32 $0x5;
	v16 =	vimm.f32 $0.0e+00;
	v11 =	vimm.f32 $0.0e+00;
	v15 =	vimm.f32 $0.0e+00;
	v23 =	vld.idx.msk [tilespmem:v30+s30+$0x0], $0xffff  }
.LBB2_4:
0x64: {  	p0 =	sne.s32 s5, $0x3F;
	v32 =	vor.u32 v4, v32;
	v33 =	vadd.s32 s8, v0;
	v30 =	vld.idx.msk [tilespmem:v30+s31+$0x0], $0xffff  }
0x65: {  	s8 =	sadd.s32 $0xFFFFFFFA, s19;
	v33 =	vand.u32 $0x3F, v33;
	v34 =	vld.idx.msk [tilespmem:v31+s30+$0x0], $0xffff  }
0x66: {  	s9 =	sadd.s32 $0xFFFFFFF9, s5;
	s22 =	sadd.s32 $0xFFFFFFFD, s5;
	v35 =	vadd.s32 s8, v0;
	v33 =	vor.u32 v4, v33;
	v31 =	vld.idx.msk [tilespmem:v31+s31+$0x0], $0xffff  }
0x67: {  	s8 =	sadd.s32 $0xFFFFFFF5, s5;
	v36 =	vadd.s32 s9, v0;
	v37 =	vadd.s32 s22, v0;
	s9 =	sadd.s32 $0xFFFFFFFE, s19;
	s19 =	smov.u32 s5;
	v35 =	vand.u32 $0x3F, v35;
	v38 =	vld.idx.msk [tilespmem:v29+s30+$0x0], $0xffff  }
0x68: {  	s22 =	sadd.s32 $0xFFFFFFF1, s5;
	v39 =	vadd.s32 s8, v0;
	v40 =	vadd.s32 s9, v0;
	v35 =	vor.u32 v4, v35;
	v29 =	vld.idx.msk [tilespmem:v29+s31+$0x0], $0xffff  }
0x69: {  	s8 =	sor.u32 s18, s22;
	v36 =	vand.u32 $0x38, v36;
	v37 =	vand.u32 $0x3F, v37;
	v40 =	vand.u32 $0x3F, v40;
	v41 =	vld.idx.msk [tilespmem:v32+s30+$0x0], $0xffff  }
0x6a: {  	v42 =	vor.u32 s8, v3;
	v39 =	vand.u32 $0x3F, v39;
	v40 =	vor.u32 v4, v40;
	v32 =	vld.idx.msk [tilespmem:v32+s31+$0x0], $0xffff  }
0x6b: {  	v36 =	vor.u32 v36, v5;
	v37 =	vor.u32 v4, v37;
	v39 =	vor.u32 v4, v39;
	v43 =	vld.idx.msk [tilespmem:v33+s30+$0x0], $0xffff  }
0x6c: {  	v44 =	vadd.s32 s5, v0;
	v7 =	vmul.f32 v7, v6;
	v45 =	vmul.f32 v10, v8;
	v33 =	vld.idx.msk [tilespmem:v33+s31+$0x0], $0xffff  }
0x6d: {  	v10 =	vmul.f32 v19, v14;
	v12 =	vmul.f32 v12, v9;
	v6 =	vand.u32 $0x3F, v44;
	s9 =	sadd.s32 $0xFFFFFFF8, s5;
	s22 =	sadd.s32 $0xFFFFFFFC, s5;
	s8 =	sadd.s32 $0xFFFFFFF4, s5;
	v9 =	vld.idx.msk [tilespmem:v35+s30+$0x0], $0xffff  }
0x6e: {  	v19 =	vadd.s32 s9, v0;
	v8 =	vadd.s32 s22, v0;
	v44 =	vadd.s32 s8, v0;
	v14 =	vld.idx.msk [tilespmem:v35+s31+$0x0], $0xffff  }
0x6f: {  	v22 =	vmul.f32 v25, v22;
	v17 =	vmul.f32 v21, v17;
	v35 =	vor.u32 v4, v6;
	v25 =	vld.idx.msk [tilespmem:v40+s30+$0x0], $0xffff  }
0x70: {  	v21 =	vmul.f32 v27, v24;
	v6 =	vand.u32 $0x3F, v8;
	v8 =	vmul.f32 v32, v41;
	v24 =	vld.idx.msk [tilespmem:v40+s31+$0x0], $0xffff  }
0x71: {  	v26 =	vmul.f32 v28, v26;
	v29 =	vmul.f32 v29, v38;
	v27 =	vor.u32 v4, v6;
	v20 =	vld.idx.msk [tilespmem:v20+s31+$0x0], $0xffff  }
0x72: {  	v11 =	vadd.f32 v7, v11;
	v18 =	vadd.f32 v8, v18;
	v28 =	vmul.f32 v33, v43;
	v6 =	vld.idx.msk [tilespmem:v42+s30+$0x0], $0xffff  }
0x73: {  	v16 =	vadd.f32 v26, v16;
	v26 =	vmul.f32 v31, v34;
	v15 =	vadd.f32 v29, v15;
	v7 =	vld.idx.msk [tilespmem:v42+s31+$0x0], $0xffff  }
0x74: {  	v11 =	vadd.f32 v10, v11;
	v18 =	vadd.f32 v28, v18;
	v14 =	vmul.f32 v14, v9;
	v8 =	vld.idx.msk [tilespmem:v37+s30+$0x0], $0xffff  }
0x75: {  	v16 =	vadd.f32 v21, v16;
	v21 =	vmul.f32 v30, v23;
	v15 =	vadd.f32 v26, v15;
	v10 =	vld.idx.msk [tilespmem:v37+s31+$0x0], $0xffff  }
0x76: {  	v11 =	vadd.f32 v12, v11;
	v18 =	vadd.f32 v14, v18;
	v23 =	vmul.f32 v24, v25;
	v9 =	vld.idx.msk [tilespmem:v36+s30+$0x0], $0xffff  }
0x77: {  	v16 =	vadd.f32 v22, v16;
	v15 =	vadd.f32 v21, v15;
	v13 =	vmul.f32 v20, v13;
	v12 =	vld.idx.msk [tilespmem:v36+s31+$0x0], $0xffff  }
0x78: {  	v11 =	vadd.f32 v45, v11;
	v20 =	vand.u32 $0x3F, v19;
	v18 =	vadd.f32 v23, v18;
	v14 =	vld.idx.msk [tilespmem:v39+s30+$0x0], $0xffff  }
0x79: {  	v16 =	vadd.f32 v17, v16;
	v23 =	vor.u32 v4, v20;
	v15 =	vadd.f32 v13, v15;
	v19 =	vld.idx.msk [tilespmem:v39+s31+$0x0], $0xffff  }
0x7a: {  	s8 =	sadd.s32 $0xFFFFFFFF, s5;
	v13 =	vand.u32 $0x3F, v44;
	v17 =	vld.idx.msk [tilespmem:v35+s30+$0x0], $0xffff  }
0x7b: {  	s9 =	sadd.s32 $0xFFFFFFFB, s5;
	v20 =	vadd.s32 s8, v0;
	v13 =	vor.u32 v4, v13;
	v21 =	vld.idx.msk [tilespmem:v35+s31+$0x0], $0xffff  }
0x7c: {  	v24 =	vadd.s32 s9, v0;
	v20 =	vand.u32 $0x3F, v20;
	v22 =	vld.idx.msk [tilespmem:v27+s30+$0x0], $0xffff  }
0x7d: {  	v26 =	vand.u32 $0x3F, v24;
	s8 =	sadd.s32 $0xFFFFFFF7, s5;
	v20 =	vor.u32 v4, v20;
	v25 =	vld.idx.msk [tilespmem:v27+s31+$0x0], $0xffff  }
0x7e: {  	v30 =	vor.u32 v4, v26;
	v27 =	vadd.s32 s8, v0;
	v24 =	vld.idx.msk [tilespmem:v23+s30+$0x0], $0xffff  }
.Ltmp0:
0x7f: {  	s8 =	sadd.s32 $0xFFFFFFF3, s5;
	v28 =	vand.u32 $0x3F, v27;
	v27 =	vld.idx.msk [tilespmem:v23+s31+$0x0], $0xffff;
	(pc) =	sbr.rel @p0 .LBB2_4-.Ltmp0, $4  }
0x80: {  	v23 =	vadd.s32 s8, v0;
	v31 =	vor.u32 v4, v28;
	v26 =	vld.idx.msk [tilespmem:v13+s30+$0x0], $0xffff  }
0x81: {  	s8 =	sadd.s32 $0xFFFFFFF2, s5;
	v23 =	vand.u32 $0x3F, v23;
	v28 =	vld.idx.msk [tilespmem:v13+s31+$0x0], $0xffff  }
0x82: {  	v32 =	vadd.s32 s8, v0;
	v29 =	vor.u32 v4, v23;
	v13 =	vld.idx.msk [tilespmem:v20+s30+$0x0], $0xffff  }
0x83: {  	s5 =	sadd.s32 $0x10, s5;
	s8 =	sadd.s32 $0xFFFFFFF6, s19;
	v32 =	vand.u32 $0x3F, v32;
	v23 =	vld.idx.msk [tilespmem:v30+s30+$0x0], $0xffff  }
0x84: {  	_ =	sdelay $0x3  }
0x85: {  	v30 =	vld.idx.msk [tilespmem:v30+s31+$0x0], $0xffff  }
0x86: {  	v5 =	vor.u32 v4, v32;
	v40 =	vadd.s32 s8, v0;
	v33 =	vld.idx.msk [tilespmem:v31+s30+$0x0], $0xffff  }
0x87: {  	s5 =	sadd.s32 $0xFFFFFFFA, s19;
	v41 =	vld.idx.msk [tilespmem:v31+s31+$0x0], $0xffff;
	v32 =	vand.u32 $0x3F, v40  }
0x88: {  	v35 =	vld.idx.msk [tilespmem:v29+s30+$0x0], $0xffff;
	v34 =	vadd.s32 s5, v0;
	v32 =	vor.u32 v4, v32  }
0x89: {  	s19 =	sadd.s32 $0xFFFFFFFE, s19;
	v42 =	vld.idx.msk [tilespmem:v29+s31+$0x0], $0xffff;
	v34 =	vand.u32 $0x3F, v34  }
0x8a: {  	v20 =	vld.idx.msk [tilespmem:v20+s31+$0x0], $0xffff;
	v36 =	vadd.s32 s19, v0;
	v34 =	vor.u32 v4, v34  }
0x8b: {  	v36 =	vand.u32 $0x3F, v36;
	v37 =	vld.idx.msk [tilespmem:v5+s30+$0x0], $0xffff  }
0x8c: {  	v4 =	vor.u32 v4, v36;
	v5 =	vld.idx.msk [tilespmem:v5+s31+$0x0], $0xffff  }
0x8d: {  	v6 =	vmul.f32 v7, v6;
	v8 =	vmul.f32 v10, v8;
	v43 =	vld.idx.msk [tilespmem:v32+s30+$0x0], $0xffff  }
0x8e: {  	v45 =	vmul.f32 v19, v14;
	v9 =	vmul.f32 v12, v9;
	v44 =	vld.idx.msk [tilespmem:v32+s31+$0x0], $0xffff  }
0x8f: {  	v48 =	vmul.f32 v25, v22;
	v17 =	vmul.f32 v21, v17;
	v46 =	vld.idx.msk [tilespmem:v34+s30+$0x0], $0xffff  }
0x90: {  	v50 =	vmul.f32 v27, v24;
	v52 =	vmul.f32 v28, v26;
	v47 =	vld.idx.msk [tilespmem:v34+s31+$0x0], $0xffff  }
0x91: {  	v51 =	vmul.f32 v42, v35;
	v49 =	vld.idx.msk [tilespmem:v4+s30+$0x0], $0xffff;
	v5 =	vmul.f32 v5, v37  }
0x92: {  	v6 =	vadd.f32 v6, v11;
	v54 =	vadd.f32 v52, v16;
	v55 =	vmul.f32 v41, v33;
	v4 =	vld.idx.msk [tilespmem:v4+s31+$0x0], $0xffff  }
0x93: {  	v53 =	vadd.f32 v51, v15;
	v5 =	vadd.f32 v5, v18;
	v7 =	vmul.f32 v44, v43  }
0x94: {  	v6 =	vadd.f32 v45, v6;
	v59 =	vmul.f32 v30, v23;
	v58 =	vadd.f32 v50, v54  }
0x95: {  	v57 =	vadd.f32 v55, v53;
	v56 =	vmul.f32 v47, v46;
	v5 =	vadd.f32 v7, v5  }
0x96: {  	v62 =	vmul.f32 v20, v13;
	v6 =	vadd.f32 v9, v6;
	v61 =	vadd.f32 v48, v58  }
0x97: {  	v60 =	vadd.f32 v59, v57;
	v4 =	vmul.f32 v4, v49;
	v5 =	vadd.f32 v56, v5  }
0x98: {  	v6 =	vadd.f32 v8, v6;
	v63 =	vadd.f32 v17, v61  }
0x99: {  	s22 =	sshll.u32 s17, $0x4;
	s17 =	sadd.s32 $0x1, s17;
	v4 =	vadd.f32 v4, v5;
	v5 =	vadd.f32 v62, v60  }
0x9a: {  	p0 =	sne.s32 s17, $0x10  }
.Ltmp1:
0x9b: {  	v4 =	vadd.f32 v4, v6;
	v5 =	vadd.f32 v63, v5;
	(pc) =	sbr.rel @p0 .LBB2_3-.Ltmp1, $4  }
0x9c: {  	_ = 	snop  }
0x9d: {  	v4 =	vadd.f32 v5, v4  }
0x9e: {  	s5 =	sand.u32 $0x3FFFFFF0, s22  }
0x9f: {  	[tilespmem:s5+$0x1FA00] =	vst v4  }
0xa0: {  	s17 =	sshll.u32 s2, $0x1;
	s5 =	rddreg [dreg:$0xc]  }
0xa1: {  	s5 =	sadd.s32 s5, s17  }
0xa2: {  	s5 =	sshll.u32 s5, $0xC  }
0xa3: {  	s5 =	sor.u32 s12, s5  }
0xa4: {  	s5 =	sshrl.u32 s5, $0x3  }
0xa5: {  	s8 =	simm.s32 $0x0;
	s9 =	simm.s32 $0x1FA00;
	s5 =	sadd.s32 s4, s5  }
0xa6: {  	[hbm4b:s5+s8] =	stream.linear.scatter [tilespmem:s9], [sflag:$0x9], $0x100, $0x38;
	[tilespmem:$0x1FC00] =	vst v63  }
0xa7: {  	_ =	swait.ge [sflag:s26], $0x100  }
0xa8: {  	[sflag:s26] =	ssyncset.done $0x0  }
0xa9: {  	[sflag:s26] =	ssyncadd.s32 $0xFFFFFF00  }
0xaa: {  	_ =	swait.ge [sflag:s6], $0x3E80  }
0xab: {  	[sflag:s6] =	ssyncset.done $0x0  }
0xac: {  	[sflag:s6] =	ssyncadd.s32 $0xFFFFC180  }
0xad: {  	_ =	swait.ge [sflag:s7], $0x3E80  }
0xae: {  	p0 =	seq.s32 s2, $0x3D;
	s5 =	rddreg [dreg:$0xe]  }
0xaf: {  	s5 =	sadd.s32 @!p0 s16, s5  }
0xb0: {  	[sflag:s7] =	ssyncset.done $0x0;
	s5 =	sshrl.u32 @!p0 s5, $0x3  }
0xb1: {  	s8 =	sshrl.u32 @!p0 s11, $0x3;
	[sflag:s7] =	ssyncadd.s32 $0xFFFFC180;
	s5 =	sadd.s32 @!p0 s3, s5  }
0xb2: {  	[spmem:s8], [sflag:s25] =	dma.local @!p0 [hbm:s5], $0x7D0  }
0xb3: {  	s5 =	sadd.s32 @!p0 $0x7A1200, s5;
	s8 =	sshrl.u32 @!p0 s14, $0x3  }
0xb4: {  	[spmem:s8], [sflag:s21] =	dma.local @!p0 [hbm:s5], $0x7D0  }
0xb5: {  	_ =	swait.ge [sflag:s28], $0x7D0  }
0xb6: {  	[sflag:s28] =	ssyncset.done $0x0  }
0xb7: {  	[sflag:s28] =	ssyncadd.s32 $0xFFFFF830  }
0xb8: {  	_ =	swait.ge [sflag:s29], $0x7D0  }
0xb9: {  	[sflag:s29] =	ssyncset.done $0x0  }
0xba: {  	[sflag:s29] =	ssyncadd.s32 $0xFFFFF830  }
0xbb: {  	[tilespmem:s30], [sflag:$0x5] =	stream.linear.gather [spmem:s23], $0x3E80, $0x38;
	[tilespmem:$0x1FC00] =	vst v63  }
0xbc: {  	s16 =	simm.s32 $0x0  }
0xbd: {  	[tilespmem:s31], [sflag:$0x7] =	stream.linear.gather [spmem:s24], $0x3E80, $0x38;
	[tilespmem:$0x1FC00] =	vst v63  }
.LBB2_7:
0xbe: {  	s18 =	sshll.u32 s16, $0xA;
	s5 =	simm.s32 $0x0  }
0xbf: {  	s8 =	simm.s32 $0xC;
	s5 =	sor.u32 s18, s5  }
0xc0: {  	v5 =	vadd.s32 s8, v0;
	v7 =	vor.u32 s5, v3  }
0xc1: {  	s22 =	simm.s32 $0x8;
	s9 =	simm.s32 $0xB;
	v4 =	vor.u32 s18, v1;
	v5 =	vand.u32 $0x3F, v5  }
0xc2: {  	v6 =	vadd.s32 s22, v0;
	v12 =	vadd.s32 s9, v0;
	v9 =	vor.u32 v4, v5  }
0xc3: {  	s8 =	simm.s32 $0x4;
	v6 =	vand.u32 $0x38, v6;
	v12 =	vand.u32 $0x3F, v12  }
0xc4: {  	v8 =	vadd.s32 s8, v0;
	v5 =	vor.u32 s18, v2;
	v18 =	vor.u32 v4, v12  }
0xc5: {  	s19 =	simm.s32 $0xF;
	v8 =	vand.u32 $0x3F, v8;
	v11 =	vor.u32 v6, v5;
	v6 =	vld.idx.msk [tilespmem:v7+s15+$0x0], $0xffff  }
0xc6: {  	v13 =	vor.u32 v4, v8;
	v8 =	vadd.s32 s19, v0;
	v7 =	vld.idx.msk [tilespmem:v7+s20+$0x0], $0xffff  }
0xc7: {  	v10 =	vand.u32 $0x3F, v8;
	v8 =	vld.idx.msk [tilespmem:v9+s15+$0x0], $0xffff  }
0xc8: {  	v15 =	vor.u32 v4, v10;
	v10 =	vld.idx.msk [tilespmem:v9+s20+$0x0], $0xffff  }
0xc9: {  	s22 =	simm.s32 $0x7;
	v22 =	vld.idx.msk [tilespmem:v18+s15+$0x0], $0xffff  }
0xca: {  	v16 =	vadd.s32 s22, v0;
	v9 =	vld.idx.msk [tilespmem:v11+s15+$0x0], $0xffff  }
0xcb: {  	s8 =	simm.s32 $0x3;
	v12 =	vld.idx.msk [tilespmem:v11+s20+$0x0], $0xffff;
	v11 =	vand.u32 $0x3F, v16  }
0xcc: {  	v14 =	vld.idx.msk [tilespmem:v13+s15+$0x0], $0xffff;
	v16 =	vadd.s32 s8, v0;
	v11 =	vor.u32 v4, v11  }
0xcd: {  	s9 =	simm.s32 $0xE;
	v19 =	vld.idx.msk [tilespmem:v13+s20+$0x0], $0xffff;
	v13 =	vand.u32 $0x3F, v16  }
0xce: {  	s22 =	simm.s32 $0xA;
	v16 =	vadd.s32 s9, v0;
	v17 =	vld.idx.msk [tilespmem:v15+s15+$0x0], $0xffff;
	v13 =	vor.u32 v4, v13  }
0xcf: {  	v21 =	vld.idx.msk [tilespmem:v15+s20+$0x0], $0xffff;
	v15 =	vadd.s32 s22, v0;
	v16 =	vand.u32 $0x3F, v16  }
0xd0: {  	v25 =	vld.idx.msk [tilespmem:v18+s20+$0x0], $0xffff;
	s8 =	simm.s32 $0x6;
	v15 =	vand.u32 $0x3F, v15;
	v20 =	vor.u32 v4, v16  }
0xd1: {  	v30 =	vor.u32 v4, v15;
	v15 =	vadd.s32 s8, v0;
	v24 =	vld.idx.msk [tilespmem:v11+s15+$0x0], $0xffff  }
0xd2: {  	s9 =	simm.s32 $0x2;
	v15 =	vand.u32 $0x3F, v15;
	v27 =	vld.idx.msk [tilespmem:v11+s20+$0x0], $0xffff  }
0xd3: {  	s22 =	simm.s32 $0x1;
	v16 =	vadd.s32 s9, v0;
	v31 =	vor.u32 v4, v15;
	v26 =	vld.idx.msk [tilespmem:v13+s15+$0x0], $0xffff  }
0xd4: {  	v18 =	vadd.s32 s22, v0;
	v16 =	vand.u32 $0x3F, v16;
	v28 =	vld.idx.msk [tilespmem:v13+s20+$0x0], $0xffff  }
0xd5: {  	v32 =	vand.u32 $0x3F, v18;
	v18 =	vimm.f32 $0.0e+00;
	v29 =	vor.u32 v4, v16;
	v13 =	vld.idx.msk [tilespmem:v20+s15+$0x0], $0xffff  }
0xd6: {  	s5 =	simm.s32 $0x1F;
	s8 =	simm.s32 $0x5;
	v16 =	vimm.f32 $0.0e+00;
	v11 =	vimm.f32 $0.0e+00;
	v15 =	vimm.f32 $0.0e+00;
	v23 =	vld.idx.msk [tilespmem:v30+s15+$0x0], $0xffff  }
.LBB2_8:
0xd7: {  	p0 =	sne.s32 s5, $0x3F;
	v32 =	vor.u32 v4, v32;
	v33 =	vadd.s32 s8, v0;
	v30 =	vld.idx.msk [tilespmem:v30+s20+$0x0], $0xffff  }
0xd8: {  	s8 =	sadd.s32 $0xFFFFFFFA, s19;
	v33 =	vand.u32 $0x3F, v33;
	v34 =	vld.idx.msk [tilespmem:v31+s15+$0x0], $0xffff  }
0xd9: {  	s9 =	sadd.s32 $0xFFFFFFF9, s5;
	s22 =	sadd.s32 $0xFFFFFFFD, s5;
	v35 =	vadd.s32 s8, v0;
	v33 =	vor.u32 v4, v33;
	v31 =	vld.idx.msk [tilespmem:v31+s20+$0x0], $0xffff  }
0xda: {  	s8 =	sadd.s32 $0xFFFFFFF5, s5;
	v36 =	vadd.s32 s9, v0;
	v37 =	vadd.s32 s22, v0;
	s9 =	sadd.s32 $0xFFFFFFFE, s19;
	s19 =	smov.u32 s5;
	v35 =	vand.u32 $0x3F, v35;
	v38 =	vld.idx.msk [tilespmem:v29+s15+$0x0], $0xffff  }
0xdb: {  	s22 =	sadd.s32 $0xFFFFFFF1, s5;
	v39 =	vadd.s32 s8, v0;
	v40 =	vadd.s32 s9, v0;
	v35 =	vor.u32 v4, v35;
	v29 =	vld.idx.msk [tilespmem:v29+s20+$0x0], $0xffff  }
0xdc: {  	s8 =	sor.u32 s18, s22;
	v36 =	vand.u32 $0x38, v36;
	v37 =	vand.u32 $0x3F, v37;
	v40 =	vand.u32 $0x3F, v40;
	v41 =	vld.idx.msk [tilespmem:v32+s15+$0x0], $0xffff  }
0xdd: {  	v42 =	vor.u32 s8, v3;
	v39 =	vand.u32 $0x3F, v39;
	v40 =	vor.u32 v4, v40;
	v32 =	vld.idx.msk [tilespmem:v32+s20+$0x0], $0xffff  }
0xde: {  	v36 =	vor.u32 v36, v5;
	v37 =	vor.u32 v4, v37;
	v39 =	vor.u32 v4, v39;
	v43 =	vld.idx.msk [tilespmem:v33+s15+$0x0], $0xffff  }
0xdf: {  	v44 =	vadd.s32 s5, v0;
	v7 =	vmul.f32 v7, v6;
	v45 =	vmul.f32 v10, v8;
	v33 =	vld.idx.msk [tilespmem:v33+s20+$0x0], $0xffff  }
0xe0: {  	v10 =	vmul.f32 v19, v14;
	v12 =	vmul.f32 v12, v9;
	v6 =	vand.u32 $0x3F, v44;
	s9 =	sadd.s32 $0xFFFFFFF8, s5;
	s22 =	sadd.s32 $0xFFFFFFFC, s5;
	s8 =	sadd.s32 $0xFFFFFFF4, s5;
	v9 =	vld.idx.msk [tilespmem:v35+s15+$0x0], $0xffff  }
0xe1: {  	v19 =	vadd.s32 s9, v0;
	v8 =	vadd.s32 s22, v0;
	v44 =	vadd.s32 s8, v0;
	v14 =	vld.idx.msk [tilespmem:v35+s20+$0x0], $0xffff  }
0xe2: {  	v22 =	vmul.f32 v25, v22;
	v17 =	vmul.f32 v21, v17;
	v35 =	vor.u32 v4, v6;
	v25 =	vld.idx.msk [tilespmem:v40+s15+$0x0], $0xffff  }
0xe3: {  	v21 =	vmul.f32 v27, v24;
	v6 =	vand.u32 $0x3F, v8;
	v8 =	vmul.f32 v32, v41;
	v24 =	vld.idx.msk [tilespmem:v40+s20+$0x0], $0xffff  }
0xe4: {  	v26 =	vmul.f32 v28, v26;
	v29 =	vmul.f32 v29, v38;
	v27 =	vor.u32 v4, v6;
	v20 =	vld.idx.msk [tilespmem:v20+s20+$0x0], $0xffff  }
0xe5: {  	v11 =	vadd.f32 v7, v11;
	v18 =	vadd.f32 v8, v18;
	v28 =	vmul.f32 v33, v43;
	v6 =	vld.idx.msk [tilespmem:v42+s15+$0x0], $0xffff  }
0xe6: {  	v16 =	vadd.f32 v26, v16;
	v26 =	vmul.f32 v31, v34;
	v15 =	vadd.f32 v29, v15;
	v7 =	vld.idx.msk [tilespmem:v42+s20+$0x0], $0xffff  }
0xe7: {  	v11 =	vadd.f32 v10, v11;
	v18 =	vadd.f32 v28, v18;
	v14 =	vmul.f32 v14, v9;
	v8 =	vld.idx.msk [tilespmem:v37+s15+$0x0], $0xffff  }
0xe8: {  	v16 =	vadd.f32 v21, v16;
	v21 =	vmul.f32 v30, v23;
	v15 =	vadd.f32 v26, v15;
	v10 =	vld.idx.msk [tilespmem:v37+s20+$0x0], $0xffff  }
0xe9: {  	v11 =	vadd.f32 v12, v11;
	v18 =	vadd.f32 v14, v18;
	v23 =	vmul.f32 v24, v25;
	v9 =	vld.idx.msk [tilespmem:v36+s15+$0x0], $0xffff  }
0xea: {  	v16 =	vadd.f32 v22, v16;
	v15 =	vadd.f32 v21, v15;
	v13 =	vmul.f32 v20, v13;
	v12 =	vld.idx.msk [tilespmem:v36+s20+$0x0], $0xffff  }
0xeb: {  	v11 =	vadd.f32 v45, v11;
	v20 =	vand.u32 $0x3F, v19;
	v18 =	vadd.f32 v23, v18;
	v14 =	vld.idx.msk [tilespmem:v39+s15+$0x0], $0xffff  }
0xec: {  	v16 =	vadd.f32 v17, v16;
	v23 =	vor.u32 v4, v20;
	v15 =	vadd.f32 v13, v15;
	v19 =	vld.idx.msk [tilespmem:v39+s20+$0x0], $0xffff  }
0xed: {  	s8 =	sadd.s32 $0xFFFFFFFF, s5;
	v13 =	vand.u32 $0x3F, v44;
	v17 =	vld.idx.msk [tilespmem:v35+s15+$0x0], $0xffff  }
0xee: {  	s9 =	sadd.s32 $0xFFFFFFFB, s5;
	v20 =	vadd.s32 s8, v0;
	v13 =	vor.u32 v4, v13;
	v21 =	vld.idx.msk [tilespmem:v35+s20+$0x0], $0xffff  }
0xef: {  	v24 =	vadd.s32 s9, v0;
	v20 =	vand.u32 $0x3F, v20;
	v22 =	vld.idx.msk [tilespmem:v27+s15+$0x0], $0xffff  }
0xf0: {  	v26 =	vand.u32 $0x3F, v24;
	s8 =	sadd.s32 $0xFFFFFFF7, s5;
	v20 =	vor.u32 v4, v20;
	v25 =	vld.idx.msk [tilespmem:v27+s20+$0x0], $0xffff  }
0xf1: {  	v30 =	vor.u32 v4, v26;
	v27 =	vadd.s32 s8, v0;
	v24 =	vld.idx.msk [tilespmem:v23+s15+$0x0], $0xffff  }
.Ltmp2:
0xf2: {  	s8 =	sadd.s32 $0xFFFFFFF3, s5;
	v28 =	vand.u32 $0x3F, v27;
	v27 =	vld.idx.msk [tilespmem:v23+s20+$0x0], $0xffff;
	(pc) =	sbr.rel @p0 .LBB2_8-.Ltmp2, $4  }
0xf3: {  	v23 =	vadd.s32 s8, v0;
	v31 =	vor.u32 v4, v28;
	v26 =	vld.idx.msk [tilespmem:v13+s15+$0x0], $0xffff  }
0xf4: {  	s8 =	sadd.s32 $0xFFFFFFF2, s5;
	v23 =	vand.u32 $0x3F, v23;
	v28 =	vld.idx.msk [tilespmem:v13+s20+$0x0], $0xffff  }
0xf5: {  	v32 =	vadd.s32 s8, v0;
	v29 =	vor.u32 v4, v23;
	v13 =	vld.idx.msk [tilespmem:v20+s15+$0x0], $0xffff  }
0xf6: {  	s5 =	sadd.s32 $0x10, s5;
	s8 =	sadd.s32 $0xFFFFFFF6, s19;
	v32 =	vand.u32 $0x3F, v32;
	v23 =	vld.idx.msk [tilespmem:v30+s15+$0x0], $0xffff  }
0xf7: {  	_ =	sdelay $0x3  }
0xf8: {  	v30 =	vld.idx.msk [tilespmem:v30+s20+$0x0], $0xffff  }
0xf9: {  	v5 =	vor.u32 v4, v32;
	v40 =	vadd.s32 s8, v0;
	v33 =	vld.idx.msk [tilespmem:v31+s15+$0x0], $0xffff  }
0xfa: {  	s5 =	sadd.s32 $0xFFFFFFFA, s19;
	v41 =	vld.idx.msk [tilespmem:v31+s20+$0x0], $0xffff;
	v32 =	vand.u32 $0x3F, v40  }
0xfb: {  	v35 =	vld.idx.msk [tilespmem:v29+s15+$0x0], $0xffff;
	v34 =	vadd.s32 s5, v0;
	v32 =	vor.u32 v4, v32  }
0xfc: {  	s19 =	sadd.s32 $0xFFFFFFFE, s19;
	v42 =	vld.idx.msk [tilespmem:v29+s20+$0x0], $0xffff;
	v34 =	vand.u32 $0x3F, v34  }
0xfd: {  	v20 =	vld.idx.msk [tilespmem:v20+s20+$0x0], $0xffff;
	v36 =	vadd.s32 s19, v0;
	v34 =	vor.u32 v4, v34  }
0xfe: {  	v36 =	vand.u32 $0x3F, v36;
	v37 =	vld.idx.msk [tilespmem:v5+s15+$0x0], $0xffff  }
0xff: {  	v4 =	vor.u32 v4, v36;
	v5 =	vld.idx.msk [tilespmem:v5+s20+$0x0], $0xffff  }
0x100: {  	v6 =	vmul.f32 v7, v6;
	v8 =	vmul.f32 v10, v8;
	v43 =	vld.idx.msk [tilespmem:v32+s15+$0x0], $0xffff  }
0x101: {  	v45 =	vmul.f32 v19, v14;
	v9 =	vmul.f32 v12, v9;
	v44 =	vld.idx.msk [tilespmem:v32+s20+$0x0], $0xffff  }
0x102: {  	v48 =	vmul.f32 v25, v22;
	v17 =	vmul.f32 v21, v17;
	v46 =	vld.idx.msk [tilespmem:v34+s15+$0x0], $0xffff  }
0x103: {  	v50 =	vmul.f32 v27, v24;
	v52 =	vmul.f32 v28, v26;
	v47 =	vld.idx.msk [tilespmem:v34+s20+$0x0], $0xffff  }
0x104: {  	v51 =	vmul.f32 v42, v35;
	v49 =	vld.idx.msk [tilespmem:v4+s15+$0x0], $0xffff;
	v5 =	vmul.f32 v5, v37  }
0x105: {  	v6 =	vadd.f32 v6, v11;
	v54 =	vadd.f32 v52, v16;
	v55 =	vmul.f32 v41, v33;
	v4 =	vld.idx.msk [tilespmem:v4+s20+$0x0], $0xffff  }
0x106: {  	v53 =	vadd.f32 v51, v15;
	v5 =	vadd.f32 v5, v18;
	v7 =	vmul.f32 v44, v43  }
0x107: {  	v6 =	vadd.f32 v45, v6;
	v59 =	vmul.f32 v30, v23;
	v58 =	vadd.f32 v50, v54  }
0x108: {  	v57 =	vadd.f32 v55, v53;
	v56 =	vmul.f32 v47, v46;
	v5 =	vadd.f32 v7, v5  }
0x109: {  	v62 =	vmul.f32 v20, v13;
	v6 =	vadd.f32 v9, v6;
	v61 =	vadd.f32 v48, v58  }
0x10a: {  	v60 =	vadd.f32 v59, v57;
	v4 =	vmul.f32 v4, v49;
	v5 =	vadd.f32 v56, v5  }
0x10b: {  	v6 =	vadd.f32 v8, v6;
	v63 =	vadd.f32 v17, v61  }
0x10c: {  	s22 =	sshll.u32 s16, $0x4;
	s16 =	sadd.s32 $0x1, s16;
	v4 =	vadd.f32 v4, v5;
	v5 =	vadd.f32 v62, v60  }
0x10d: {  	p0 =	sne.s32 s16, $0x10  }
.Ltmp3:
0x10e: {  	v4 =	vadd.f32 v4, v6;
	v5 =	vadd.f32 v63, v5;
	(pc) =	sbr.rel @p0 .LBB2_7-.Ltmp3, $4  }
0x10f: {  	_ = 	snop  }
0x110: {  	v4 =	vadd.f32 v5, v4  }
0x111: {  	s5 =	sand.u32 $0x3FFFFFF0, s22  }
0x112: {  	[tilespmem:s5+$0x1FB00] =	vst v4  }
0x113: {  	s5 =	rddreg [dreg:$0xf]  }
0x114: {  	s5 =	sadd.s32 s17, s5  }
0x115: {  	s5 =	sshll.u32 s5, $0xC  }
0x116: {  	s2 =	sadd.s32 $0x1, s2;
	s5 =	sor.u32 s12, s5  }
0x117: {  	s8 =	simm.s32 $0x0;
	p0 =	sne.s32 s2, $0x3E;
	s5 =	sshrl.u32 s5, $0x3  }
.Ltmp4:
0x118: {  	s9 =	simm.s32 $0x1FB00;
	s5 =	sadd.s32 s4, s5;
	(pc) =	sbr.rel @p0 .LBB2_2-.Ltmp4, $4  }
0x119: {  	[hbm4b:s5+s8] =	stream.linear.scatter [tilespmem:s9], [sflag:$0x9], $0x100, $0x38;
	[tilespmem:$0x1FC00] =	vst v63  }
0x11a: {  	_ =	swait.ge [sflag:s26], $0x100  }
0x11b: {  	[sflag:s26] =	ssyncset.done $0x0  }
0x11c: {  	[sflag:s26] =	ssyncadd.s32 $0xFFFFFF00  }
0x11d: {  	_ =	swait.ge [sflag:s0], $0x3E80  }
0x11e: {  	[sflag:s0] =	ssyncset.done $0x0  }
0x11f: {  	[sflag:s0] =	ssyncadd.s32 $0xFFFFC180  }
0x120: {  	_ =	swait.ge [sflag:s1], $0x3E80  }
0x121: {  	[sflag:s1] =	ssyncset.done $0x0  }
0x122: {  	s2 =	simm.s32 $0x0;
	[sflag:s1] =	ssyncadd.s32 $0xFFFFC180  }
.LBB2_12:
0x123: {  	s16 =	sshll.u32 s2, $0xA;
	s5 =	simm.s32 $0x0  }
0x124: {  	s8 =	simm.s32 $0xC;
	s5 =	sor.u32 s16, s5  }
0x125: {  	v5 =	vadd.s32 s8, v0;
	v7 =	vor.u32 s5, v3  }
0x126: {  	s19 =	simm.s32 $0x4;
	v4 =	vor.u32 s16, v1;
	v5 =	vand.u32 $0x3F, v5  }
0x127: {  	s18 =	simm.s32 $0x8;
	v8 =	vadd.s32 s19, v0;
	v9 =	vor.u32 v4, v5  }
0x128: {  	v6 =	vadd.s32 s18, v0;
	v8 =	vand.u32 $0x3F, v8  }
0x129: {  	v6 =	vand.u32 $0x38, v6;
	v5 =	vor.u32 s16, v2;
	v13 =	vor.u32 v4, v8  }
0x12a: {  	s17 =	simm.s32 $0xF;
	s21 =	simm.s32 $0xB;
	v11 =	vor.u32 v6, v5;
	v6 =	vld.idx.msk [tilespmem:v7+s30+$0x0], $0xffff  }
0x12b: {  	v12 =	vadd.s32 s21, v0;
	v8 =	vadd.s32 s17, v0;
	v7 =	vld.idx.msk [tilespmem:v7+s31+$0x0], $0xffff  }
0x12c: {  	v12 =	vand.u32 $0x3F, v12;
	v10 =	vand.u32 $0x3F, v8;
	v8 =	vld.idx.msk [tilespmem:v9+s30+$0x0], $0xffff  }
0x12d: {  	v18 =	vor.u32 v4, v12;
	v15 =	vor.u32 v4, v10;
	v10 =	vld.idx.msk [tilespmem:v9+s31+$0x0], $0xffff  }
0x12e: {  	s22 =	simm.s32 $0x7;
	v14 =	vld.idx.msk [tilespmem:v13+s30+$0x0], $0xffff  }
0x12f: {  	v16 =	vadd.s32 s22, v0;
	v9 =	vld.idx.msk [tilespmem:v11+s30+$0x0], $0xffff  }
0x130: {  	s8 =	simm.s32 $0x3;
	v12 =	vld.idx.msk [tilespmem:v11+s31+$0x0], $0xffff;
	v11 =	vand.u32 $0x3F, v16  }
0x131: {  	v19 =	vld.idx.msk [tilespmem:v13+s31+$0x0], $0xffff;
	v16 =	vadd.s32 s8, v0;
	v11 =	vor.u32 v4, v11  }
0x132: {  	s9 =	simm.s32 $0xE;
	v22 =	vld.idx.msk [tilespmem:v18+s30+$0x0], $0xffff;
	v13 =	vand.u32 $0x3F, v16  }
0x133: {  	s18 =	simm.s32 $0xA;
	v17 =	vld.idx.msk [tilespmem:v15+s30+$0x0], $0xffff;
	v16 =	vadd.s32 s9, v0;
	v13 =	vor.u32 v4, v13  }
0x134: {  	v21 =	vld.idx.msk [tilespmem:v15+s31+$0x0], $0xffff;
	v15 =	vadd.s32 s18, v0;
	v16 =	vand.u32 $0x3F, v16  }
0x135: {  	s19 =	simm.s32 $0x6;
	v25 =	vld.idx.msk [tilespmem:v18+s31+$0x0], $0xffff;
	v15 =	vand.u32 $0x3F, v15;
	v20 =	vor.u32 v4, v16  }
0x136: {  	v30 =	vor.u32 v4, v15;
	v15 =	vadd.s32 s19, v0;
	v24 =	vld.idx.msk [tilespmem:v11+s30+$0x0], $0xffff  }
0x137: {  	s21 =	simm.s32 $0x2;
	v15 =	vand.u32 $0x3F, v15;
	v27 =	vld.idx.msk [tilespmem:v11+s31+$0x0], $0xffff  }
0x138: {  	s22 =	simm.s32 $0x1;
	v16 =	vadd.s32 s21, v0;
	v31 =	vor.u32 v4, v15;
	v26 =	vld.idx.msk [tilespmem:v13+s30+$0x0], $0xffff  }
0x139: {  	v18 =	vadd.s32 s22, v0;
	v16 =	vand.u32 $0x3F, v16;
	v28 =	vld.idx.msk [tilespmem:v13+s31+$0x0], $0xffff  }
0x13a: {  	v32 =	vand.u32 $0x3F, v18;
	v18 =	vimm.f32 $0.0e+00;
	v29 =	vor.u32 v4, v16;
	v13 =	vld.idx.msk [tilespmem:v20+s30+$0x0], $0xffff  }
0x13b: {  	s5 =	simm.s32 $0x1F;
	s8 =	simm.s32 $0x5;
	v15 =	vimm.f32 $0.0e+00;
	v16 =	vimm.f32 $0.0e+00;
	v11 =	vimm.f32 $0.0e+00;
	v23 =	vld.idx.msk [tilespmem:v30+s30+$0x0], $0xffff  }
.LBB2_13:
0x13c: {  	p0 =	sne.s32 s5, $0x3F;
	v32 =	vor.u32 v4, v32;
	v33 =	vadd.s32 s8, v0;
	v30 =	vld.idx.msk [tilespmem:v30+s31+$0x0], $0xffff  }
0x13d: {  	s8 =	sadd.s32 $0xFFFFFFFA, s17;
	v33 =	vand.u32 $0x3F, v33;
	v34 =	vld.idx.msk [tilespmem:v31+s30+$0x0], $0xffff  }
0x13e: {  	s9 =	sadd.s32 $0xFFFFFFF9, s5;
	s18 =	sadd.s32 $0xFFFFFFFD, s5;
	v35 =	vadd.s32 s8, v0;
	v33 =	vor.u32 v4, v33;
	v31 =	vld.idx.msk [tilespmem:v31+s31+$0x0], $0xffff  }
0x13f: {  	s8 =	sadd.s32 $0xFFFFFFF5, s5;
	v36 =	vadd.s32 s9, v0;
	v37 =	vadd.s32 s18, v0;
	s9 =	sadd.s32 $0xFFFFFFFE, s17;
	s17 =	smov.u32 s5;
	v35 =	vand.u32 $0x3F, v35;
	v38 =	vld.idx.msk [tilespmem:v29+s30+$0x0], $0xffff  }
0x140: {  	s18 =	sadd.s32 $0xFFFFFFF1, s5;
	v39 =	vadd.s32 s8, v0;
	v40 =	vadd.s32 s9, v0;
	v35 =	vor.u32 v4, v35;
	v29 =	vld.idx.msk [tilespmem:v29+s31+$0x0], $0xffff  }
0x141: {  	s8 =	sor.u32 s16, s18;
	v36 =	vand.u32 $0x38, v36;
	v37 =	vand.u32 $0x3F, v37;
	v40 =	vand.u32 $0x3F, v40;
	v41 =	vld.idx.msk [tilespmem:v32+s30+$0x0], $0xffff  }
0x142: {  	v42 =	vor.u32 s8, v3;
	v39 =	vand.u32 $0x3F, v39;
	v40 =	vor.u32 v4, v40;
	v32 =	vld.idx.msk [tilespmem:v32+s31+$0x0], $0xffff  }
0x143: {  	v36 =	vor.u32 v36, v5;
	v37 =	vor.u32 v4, v37;
	v39 =	vor.u32 v4, v39;
	v43 =	vld.idx.msk [tilespmem:v33+s30+$0x0], $0xffff  }
0x144: {  	v44 =	vadd.s32 s5, v0;
	v7 =	vmul.f32 v7, v6;
	v45 =	vmul.f32 v10, v8;
	v33 =	vld.idx.msk [tilespmem:v33+s31+$0x0], $0xffff  }
0x145: {  	v10 =	vmul.f32 v19, v14;
	v12 =	vmul.f32 v12, v9;
	v6 =	vand.u32 $0x3F, v44;
	s9 =	sadd.s32 $0xFFFFFFF8, s5;
	s18 =	sadd.s32 $0xFFFFFFFC, s5;
	s8 =	sadd.s32 $0xFFFFFFF4, s5;
	v9 =	vld.idx.msk [tilespmem:v35+s30+$0x0], $0xffff  }
0x146: {  	v19 =	vadd.s32 s9, v0;
	v8 =	vadd.s32 s18, v0;
	v44 =	vadd.s32 s8, v0;
	v14 =	vld.idx.msk [tilespmem:v35+s31+$0x0], $0xffff  }
0x147: {  	v22 =	vmul.f32 v25, v22;
	v17 =	vmul.f32 v21, v17;
	v35 =	vor.u32 v4, v6;
	v25 =	vld.idx.msk [tilespmem:v40+s30+$0x0], $0xffff  }
0x148: {  	v21 =	vmul.f32 v27, v24;
	v6 =	vand.u32 $0x3F, v8;
	v8 =	vmul.f32 v32, v41;
	v24 =	vld.idx.msk [tilespmem:v40+s31+$0x0], $0xffff  }
0x149: {  	v26 =	vmul.f32 v28, v26;
	v29 =	vmul.f32 v29, v38;
	v27 =	vor.u32 v4, v6;
	v20 =	vld.idx.msk [tilespmem:v20+s31+$0x0], $0xffff  }
0x14a: {  	v11 =	vadd.f32 v7, v11;
	v18 =	vadd.f32 v8, v18;
	v28 =	vmul.f32 v33, v43;
	v6 =	vld.idx.msk [tilespmem:v42+s30+$0x0], $0xffff  }
0x14b: {  	v16 =	vadd.f32 v26, v16;
	v26 =	vmul.f32 v31, v34;
	v15 =	vadd.f32 v29, v15;
	v7 =	vld.idx.msk [tilespmem:v42+s31+$0x0], $0xffff  }
0x14c: {  	v11 =	vadd.f32 v10, v11;
	v18 =	vadd.f32 v28, v18;
	v14 =	vmul.f32 v14, v9;
	v8 =	vld.idx.msk [tilespmem:v37+s30+$0x0], $0xffff  }
0x14d: {  	v16 =	vadd.f32 v21, v16;
	v21 =	vmul.f32 v30, v23;
	v15 =	vadd.f32 v26, v15;
	v10 =	vld.idx.msk [tilespmem:v37+s31+$0x0], $0xffff  }
0x14e: {  	v11 =	vadd.f32 v12, v11;
	v18 =	vadd.f32 v14, v18;
	v23 =	vmul.f32 v24, v25;
	v9 =	vld.idx.msk [tilespmem:v36+s30+$0x0], $0xffff  }
0x14f: {  	v16 =	vadd.f32 v22, v16;
	v15 =	vadd.f32 v21, v15;
	v13 =	vmul.f32 v20, v13;
	v12 =	vld.idx.msk [tilespmem:v36+s31+$0x0], $0xffff  }
0x150: {  	v11 =	vadd.f32 v45, v11;
	v20 =	vand.u32 $0x3F, v19;
	v18 =	vadd.f32 v23, v18;
	v14 =	vld.idx.msk [tilespmem:v39+s30+$0x0], $0xffff  }
0x151: {  	v16 =	vadd.f32 v17, v16;
	v23 =	vor.u32 v4, v20;
	v15 =	vadd.f32 v13, v15;
	v19 =	vld.idx.msk [tilespmem:v39+s31+$0x0], $0xffff  }
0x152: {  	s8 =	sadd.s32 $0xFFFFFFFF, s5;
	v13 =	vand.u32 $0x3F, v44;
	v17 =	vld.idx.msk [tilespmem:v35+s30+$0x0], $0xffff  }
0x153: {  	s9 =	sadd.s32 $0xFFFFFFFB, s5;
	v20 =	vadd.s32 s8, v0;
	v13 =	vor.u32 v4, v13;
	v21 =	vld.idx.msk [tilespmem:v35+s31+$0x0], $0xffff  }
0x154: {  	v24 =	vadd.s32 s9, v0;
	v20 =	vand.u32 $0x3F, v20;
	v22 =	vld.idx.msk [tilespmem:v27+s30+$0x0], $0xffff  }
0x155: {  	v26 =	vand.u32 $0x3F, v24;
	s8 =	sadd.s32 $0xFFFFFFF7, s5;
	v20 =	vor.u32 v4, v20;
	v25 =	vld.idx.msk [tilespmem:v27+s31+$0x0], $0xffff  }
0x156: {  	v30 =	vor.u32 v4, v26;
	v27 =	vadd.s32 s8, v0;
	v24 =	vld.idx.msk [tilespmem:v23+s30+$0x0], $0xffff  }
.Ltmp5:
0x157: {  	s8 =	sadd.s32 $0xFFFFFFF3, s5;
	v28 =	vand.u32 $0x3F, v27;
	v27 =	vld.idx.msk [tilespmem:v23+s31+$0x0], $0xffff;
	(pc) =	sbr.rel @p0 .LBB2_13-.Ltmp5, $4  }
0x158: {  	v23 =	vadd.s32 s8, v0;
	v31 =	vor.u32 v4, v28;
	v26 =	vld.idx.msk [tilespmem:v13+s30+$0x0], $0xffff  }
0x159: {  	s8 =	sadd.s32 $0xFFFFFFF2, s5;
	v23 =	vand.u32 $0x3F, v23;
	v28 =	vld.idx.msk [tilespmem:v13+s31+$0x0], $0xffff  }
0x15a: {  	v32 =	vadd.s32 s8, v0;
	v29 =	vor.u32 v4, v23;
	v13 =	vld.idx.msk [tilespmem:v20+s30+$0x0], $0xffff  }
0x15b: {  	s5 =	sadd.s32 $0x10, s5;
	s8 =	sadd.s32 $0xFFFFFFF6, s17;
	v32 =	vand.u32 $0x3F, v32;
	v23 =	vld.idx.msk [tilespmem:v30+s30+$0x0], $0xffff  }
0x15c: {  	_ =	sdelay $0x3  }
0x15d: {  	v30 =	vld.idx.msk [tilespmem:v30+s31+$0x0], $0xffff  }
0x15e: {  	v5 =	vor.u32 v4, v32;
	v40 =	vadd.s32 s8, v0;
	v33 =	vld.idx.msk [tilespmem:v31+s30+$0x0], $0xffff  }
0x15f: {  	s5 =	sadd.s32 $0xFFFFFFFA, s17;
	v41 =	vld.idx.msk [tilespmem:v31+s31+$0x0], $0xffff;
	v32 =	vand.u32 $0x3F, v40  }
0x160: {  	v35 =	vld.idx.msk [tilespmem:v29+s30+$0x0], $0xffff;
	v34 =	vadd.s32 s5, v0;
	v32 =	vor.u32 v4, v32  }
0x161: {  	s21 =	sadd.s32 $0xFFFFFFFE, s17;
	v42 =	vld.idx.msk [tilespmem:v29+s31+$0x0], $0xffff;
	v34 =	vand.u32 $0x3F, v34  }
0x162: {  	v20 =	vld.idx.msk [tilespmem:v20+s31+$0x0], $0xffff;
	v36 =	vadd.s32 s21, v0;
	v34 =	vor.u32 v4, v34  }
0x163: {  	v36 =	vand.u32 $0x3F, v36;
	v37 =	vld.idx.msk [tilespmem:v5+s30+$0x0], $0xffff  }
0x164: {  	v4 =	vor.u32 v4, v36;
	v5 =	vld.idx.msk [tilespmem:v5+s31+$0x0], $0xffff  }
0x165: {  	v6 =	vmul.f32 v7, v6;
	v8 =	vmul.f32 v10, v8;
	v43 =	vld.idx.msk [tilespmem:v32+s30+$0x0], $0xffff  }
0x166: {  	v45 =	vmul.f32 v19, v14;
	v9 =	vmul.f32 v12, v9;
	v44 =	vld.idx.msk [tilespmem:v32+s31+$0x0], $0xffff  }
0x167: {  	v48 =	vmul.f32 v25, v22;
	v17 =	vmul.f32 v21, v17;
	v46 =	vld.idx.msk [tilespmem:v34+s30+$0x0], $0xffff  }
0x168: {  	v50 =	vmul.f32 v27, v24;
	v52 =	vmul.f32 v28, v26;
	v47 =	vld.idx.msk [tilespmem:v34+s31+$0x0], $0xffff  }
0x169: {  	v51 =	vmul.f32 v42, v35;
	v49 =	vld.idx.msk [tilespmem:v4+s30+$0x0], $0xffff;
	v5 =	vmul.f32 v5, v37  }
0x16a: {  	v6 =	vadd.f32 v6, v11;
	v54 =	vadd.f32 v52, v16;
	v55 =	vmul.f32 v41, v33;
	v4 =	vld.idx.msk [tilespmem:v4+s31+$0x0], $0xffff  }
0x16b: {  	v53 =	vadd.f32 v51, v15;
	v5 =	vadd.f32 v5, v18;
	v7 =	vmul.f32 v44, v43  }
0x16c: {  	v6 =	vadd.f32 v45, v6;
	v59 =	vmul.f32 v30, v23;
	v58 =	vadd.f32 v50, v54  }
0x16d: {  	v57 =	vadd.f32 v55, v53;
	v56 =	vmul.f32 v47, v46;
	v5 =	vadd.f32 v7, v5  }
0x16e: {  	v62 =	vmul.f32 v20, v13;
	v6 =	vadd.f32 v9, v6;
	v61 =	vadd.f32 v48, v58  }
0x16f: {  	v60 =	vadd.f32 v59, v57;
	v4 =	vmul.f32 v4, v49;
	v5 =	vadd.f32 v56, v5  }
0x170: {  	v6 =	vadd.f32 v8, v6;
	v63 =	vadd.f32 v17, v61  }
0x171: {  	s22 =	sshll.u32 s2, $0x4;
	s2 =	sadd.s32 $0x1, s2;
	v4 =	vadd.f32 v4, v5;
	v5 =	vadd.f32 v62, v60  }
0x172: {  	p0 =	sne.s32 s2, $0x10  }
.Ltmp6:
0x173: {  	v4 =	vadd.f32 v4, v6;
	v5 =	vadd.f32 v63, v5;
	(pc) =	sbr.rel @p0 .LBB2_12-.Ltmp6, $4  }
0x174: {  	_ = 	snop  }
0x175: {  	v4 =	vadd.f32 v5, v4  }
0x176: {  	s5 =	sand.u32 $0x3FFFFFF0, s22  }
0x177: {  	[tilespmem:s5+$0x1FA00] =	vst v4  }
0x178: {  	s2 =	simm.s32 $0x0;
	s5 =	rddreg [dreg:$0x10];
	s8 =	simm.s32 $0x1FA00  }
0x179: {  	[hbm4b:s5+s2] =	stream.linear.scatter [tilespmem:s8], [sflag:$0x9], $0x100, $0x38;
	[tilespmem:$0x1FC00] =	vst v63  }
0x17a: {  	_ =	swait.ge [sflag:s26], $0x100  }
0x17b: {  	s21 =	rddreg [dreg:$0x16]  }
0x17c: {  	s22 =	rddreg [dreg:$0x11];
	s5 =	sadd.s32 $0x1, s21  }
0x17d: {  	p0 =	sne.s32 s5, s22  }
.Ltmp7:
0x17e: {  	_ = 	snop;
	(pc) =	sbr.rel @p0 .LBB2_1-.Ltmp7, $3  }
0x17f: {  	_ =	sdelay $0x1  }
0x180: {  	[sflag:s26] =	ssyncset.done $0x0  }
0x181: {  	[sflag:s26] =	ssyncadd.s32 $0xFFFFFF00  }
0x182: {  	_ =	sfence.sel $0x180000  }
0x183: {  	[bflag:$0x0] =	sbarrier.arrive $0xFFFF  }
0x184: {  	_ =	strace $0x90000047  }
0x185: {  	s0 =	stileid.u32;
	[bflag:$0x2] =	sbarrier.arrive $0xFFFF  }
0x186: {  	p0 =	sne.s32 s0, $0x0;
	s0 =	rddreg [dreg:$0x5]  }
0x187: {  	s0 =	sadd.s32 @!p0 $0x100000, s0  }
0x188: {  	[sflag:s0] =	ssyncadd.tile.s32 @!p0 $0x1;
	_ =	shalt  }
.Lfunc_end2:
_tile_overlayer_lowered:
.L_overlay_start_2:
0x189: {  	(tag) =	ssettag $0x2  }
0x18a: {  	s0 =	rddreg [dreg:$0x0];
	s2 =	stileid.u32  }
0x18b: {  	s1 =	rddreg [dreg:$0x1];
	p0 =	sne.s32 s2, $0x0  }
0x18c: {  	s3 =	rddreg [dreg:$0x2];
	[bflag:$0x3] =	sbarrier.arrive $0xFFFF;
	s2 =	simm.s32 @!p0 $0x1C09  }
0x18d: {  	[timem:s3], [sflag:s2] =	dma.local @!p0 [hbm:s0], s1  }
0x18e: {  	s0 =	simm.s32 @!p0 $0x9  }
0x18f: {  	_ =	swait.ge @!p0 [sflag:s0], s1  }
0x190: {  	s1 =	ssub.s32 @!p0 $0x0, s1;
	[sflag:s0] =	ssyncset.done @!p0 $0x0  }
0x191: {  	[sflag:s0] =	ssyncadd.s32 @!p0 s1  }
0x192: {  	[bflag:$0x3] =	sbarrier.arrive $0xFFFF  }
0x193: {  	_ =	shalt  }

</sc_bundles>
